<compile_context>
chip_gen: v7x
topology: tpu7x:2x2x1
jax: 0.10.2.dev20260603
libtpu: 0.0.44.dev20260713+nightly
codegen_flags: <defaults>
</compile_context>

<pallas_src>
import jax
import jax.numpy as jnp
from jax import lax
from jax.experimental import pallas as pl
from jax.experimental.pallas import tpu as pltpu
from jax.experimental.pallas import tpu_sc as plsc

_NC = 1
_NS = 16
_L = 16
_NW = _NC * _NS


def _make_qnorm_body(nq, f):
  def _qnorm_body(x_hbm, tab_hbm, out_hbm, xv, tv, ov, sv, sem):
    sid = lax.axis_index("s")
    npt = xv.shape[0]
    base = sid * npt
    inv_step = 1.0 / (nq - 1)

    xcopy = pltpu.async_copy(x_hbm.at[pl.ds(base, npt)], xv, sem)
    pltpu.sync_copy(tab_hbm, tv)
    xcopy.wait()

    @plsc.parallel_loop(0, npt // _L, 1, unroll=4)
    def body(i):
        off = i * _L
        x16 = xv[pl.ds(off, _L)]
        lane = lax.iota(jnp.int32, _L)
        tix = (base + off + lane) % f
        h = tix + (nq // 2 - 1) * f
        k = nq // 2
        while k >= 2:
            v = plsc.load_gather(tv, [h])
            h = h + jnp.where(v <= x16, (k // 2) * f, -((k // 2) * f))
            k //= 2
        v = plsc.load_gather(tv, [h])
        e = h + jnp.where(v <= x16, 0, -f)
        gl = jnp.minimum(jnp.maximum(e, tix), tix + (nq - 2) * f)
        low = plsc.load_gather(tv, [gl])
        high = plsc.load_gather(tv, [gl + f])
        r = (gl - tix).astype(jnp.float32) * (1.0 / f)
        t = (x16 - low) / (high - low + 1e-9)
        ov[pl.ds(off, _L)] = (r + t) * inv_step

    pltpu.sync_copy(ov, out_hbm.at[pl.ds(base, npt)])

  return _qnorm_body


def kernel(x, q_values, quantiles):
    del quantiles
    b, f = x.shape
    nq = q_values.shape[0]
    n = b * f
    npt = n // _NW
    xf = x.reshape(-1)
    tab = q_values.reshape(-1)
    mesh = plsc.VectorSubcoreMesh(core_axis_name="c", subcore_axis_name="s",
                                  num_cores=_NC)
    out = pl.kernel(
        _make_qnorm_body(nq, f),
        out_type=jax.ShapeDtypeStruct((n,), jnp.float32),
        mesh=mesh,
        compiler_params=pltpu.CompilerParams(needs_layout_passes=False),
        scratch_types=[
            pltpu.VMEM((npt,), jnp.float32),
            pltpu.VMEM((f * nq,), jnp.float32),
            pltpu.VMEM((npt,), jnp.float32),
            pltpu.VMEM_SHARED((f * nq,), jnp.float32),
            pltpu.SemaphoreType.DMA,
        ],
    )(xf, tab)
    return out.reshape(b, f)

# --- scband reference (transcript-rebuilt; emitter-appended) ---
"""Pipeline reference for scband-quantile-normalizer-61572651155629 (READ-ONLY COPY).

The authoritative reference and input builder live on the scoring server;
editing this copy changes nothing except your own understanding.
"""

import jax, jax.numpy as jnp
import numpy as np

N_QUANTILES = 256
N_FEATURES = 100
N_SAMPLES = 10000
BATCH = 1024


def setup_inputs(seed: int = 0) -> dict:
    key = jax.random.key(seed)
    k1, k2 = jax.random.split(key)
    X_train = jax.random.normal(k1, (N_SAMPLES, N_FEATURES), dtype=jnp.float32)
    quantiles = jnp.linspace(0.0, 1.0, N_QUANTILES, dtype=jnp.float32)
    q_values = jnp.quantile(X_train, quantiles, axis=0).astype(jnp.float32)
    x = jax.random.normal(k2, (BATCH, N_FEATURES), dtype=jnp.float32)
    return {"x": x, "q_values": q_values, "quantiles": quantiles}


def reference(x, q_values, quantiles):
    # x: [B, F]; q_values: [Q, F]; quantiles: [Q]
    x_exp = x[None, :, :]                      # [1, B, F]
    q_vals = q_values[:, None, :]              # [Q, 1, F]
    mask = (x_exp >= q_vals).astype(jnp.float32)   # [Q, B, F]
    rank = mask.sum(axis=0) - 1.0              # [B, F]
    rank = jnp.clip(rank, 0, q_values.shape[0] - 2).astype(jnp.int32)
    feat_idx = jnp.arange(x.shape[1])          # [F]
    low = q_values[rank, feat_idx]             # gather -> [B, F]
    high = q_values[rank + 1, feat_idx]        # gather -> [B, F]
    q_low = quantiles[rank]                    # gather -> [B, F]
    q_high = quantiles[rank + 1]               # gather -> [B, F]
    t = (x - low) / (high - low + 1e-09)
    x_norm = q_low + t * (q_high - q_low)
    return x_norm

if __name__ == "__main__":
    import jax
    _d = setup_inputs()
    print(jax.jit(kernel)(*tuple(_d.values())))

</pallas_src>

<mosaic_0001>
#map = affine_map<(d0, d1) -> (0)>
module attributes {stable_mosaic.version = 14 : i64} {
  func.func @_qnorm_body(%arg0: i32, %arg1: i32, %arg2: memref<102400xf32, #tpu.memory_space<hbm>>, %arg3: memref<25600xf32, #tpu.memory_space<hbm>>, %arg4: memref<102400xf32, #tpu.memory_space<hbm>>, %arg5: memref<6400xf32, #tpu.memory_space<vmem>>, %arg6: memref<25600xf32, #tpu.memory_space<vmem>>, %arg7: memref<6400xf32, #tpu.memory_space<vmem>>, %arg8: memref<25600xf32, #tpu.memory_space<vmem_shared>>, %arg9: memref<!tpu.dma_semaphore, #tpu.memory_space<semaphore_mem>>) attributes {dimension_semantics = [#tpu.dimension_semantics<core_parallel>, #tpu.dimension_semantics<subcore_parallel>], iteration_bounds = array<i64: 1, 16>, scalar_prefetch = 0 : i64, scratch_operands = 5 : i64, tpu.core_type = #tpu.core_type<sc_vector_subcore>, window_params = [{transform_indices = #map}, {transform_indices = #map}, {transform_indices = #map}]} {
    %mul3A = arith.constant 6400 : i32
    %mul3A_0 = arith.muli %arg1, %mul3A : i32
    %dma_start3A = tpu.memref_slice %arg2[%mul3A_0] : memref<102400xf32, #tpu.memory_space<hbm>> -> memref<6400xf32, #tpu.memory_space<hbm>>
    %dma_start3A_1 = tpu.memref_slice %arg2[%mul3A_0] : memref<102400xf32, #tpu.memory_space<hbm>> -> memref<6400xf32, #tpu.memory_space<hbm>>
    tpu.enqueue_dma source(%dma_start3A_1 : memref<6400xf32, #tpu.memory_space<hbm>>) target(%arg5 : memref<6400xf32, #tpu.memory_space<vmem>>) target_semaphore(%arg9 : memref<!tpu.dma_semaphore, #tpu.memory_space<semaphore_mem>>)
    "tpu.region"() ({
      %run_scoped3A = tpu.sem_alloc : memref<!tpu.dma_semaphore, #tpu.memory_space<semaphore_mem>>
      tpu.enqueue_dma source(%arg3 : memref<25600xf32, #tpu.memory_space<hbm>>) target(%arg6 : memref<25600xf32, #tpu.memory_space<vmem>>) target_semaphore(%run_scoped3A : memref<!tpu.dma_semaphore, #tpu.memory_space<semaphore_mem>>)
      tpu.wait_dma2 semaphore(%run_scoped3A : memref<!tpu.dma_semaphore, #tpu.memory_space<semaphore_mem>>) src(%arg3 : memref<25600xf32, #tpu.memory_space<hbm>>) dst(%arg6 : memref<25600xf32, #tpu.memory_space<vmem>>)
      tpu.yield
    }) : () -> ()
    %dma_wait3A = tpu.memref_slice %arg2[%mul3A_0] : memref<102400xf32, #tpu.memory_space<hbm>> -> memref<6400xf32, #tpu.memory_space<hbm>>
    %dma_wait3A_2 = tpu.memref_slice %arg2[%mul3A_0] : memref<102400xf32, #tpu.memory_space<hbm>> -> memref<6400xf32, #tpu.memory_space<hbm>>
    tpu.wait_dma2 semaphore(%arg9 : memref<!tpu.dma_semaphore, #tpu.memory_space<semaphore_mem>>) src(%dma_wait3A_2 : memref<6400xf32, #tpu.memory_space<hbm>>) dst(%arg5 : memref<6400xf32, #tpu.memory_space<vmem>>)
    %parallel_loop3A = arith.constant 0 : i32
    %parallel_loop3A_3 = arith.constant 400 : i32
    %parallel_loop3A_4 = arith.constant 1 : i32
    scf.for %parallel_loop3A_5 = %parallel_loop3A to %parallel_loop3A_3 step %parallel_loop3A_4  : i32 {
      %parallel_loop3A_6 = arith.constant 16 : i32
      %parallel_loop3A_7 = arith.muli %parallel_loop3A_5, %parallel_loop3A_6 : i32
      %parallel_loop3A_8 = arith.index_cast %parallel_loop3A_7 : i32 to index
      %parallel_loop3A_9 = tpu.vector_load %arg5[%parallel_loop3A_8] {strides = array<i32>} : memref<6400xf32, #tpu.memory_space<vmem>>, vector<16xf32>,
      %parallel_loop3A_10 = tpu.iota {dimensions = array<i32: 0>} : vector<16xi32>
      %parallel_loop3A_11 = arith.addi %mul3A_0, %parallel_loop3A_7 : i32
      %parallel_loop3A_12 = vector.broadcast %parallel_loop3A_11 : i32 to vector<16xi32>
      %parallel_loop3A_13 = arith.addi %parallel_loop3A_12, %parallel_loop3A_10 : vector<16xi32>
      %parallel_loop3A_14 = arith.constant 100 : i32
      %parallel_loop3A_15 = arith.constant 0 : i32
      %parallel_loop3A_16 = arith.cmpi eq, %parallel_loop3A_14, %parallel_loop3A_15 : i32
      %parallel_loop3A_17 = arith.constant 1 : i32
      %parallel_loop3A_18 = arith.select %parallel_loop3A_16, %parallel_loop3A_17, %parallel_loop3A_14 : i32
      %parallel_loop3A_19 = vector.broadcast %parallel_loop3A_18 : i32 to vector<16xi32>
      %parallel_loop3A_20 = arith.remsi %parallel_loop3A_13, %parallel_loop3A_19 : vector<16xi32>
      %parallel_loop3A_21 = arith.constant 0 : i32
      %parallel_loop3A_22 = vector.broadcast %parallel_loop3A_21 : i32 to vector<16xi32>
      %parallel_loop3A_23 = arith.cmpi ne, %parallel_loop3A_20, %parallel_loop3A_22 : vector<16xi32>
      %parallel_loop3A_24 = arith.constant 0 : i32
      %parallel_loop3A_25 = vector.broadcast %parallel_loop3A_24 : i32 to vector<16xi32>
      %parallel_loop3A_26 = arith.cmpi slt, %parallel_loop3A_20, %parallel_loop3A_25 : vector<16xi32>
      %parallel_loop3A_27 = arith.constant 0 : i32
      %parallel_loop3A_28 = arith.cmpi slt, %parallel_loop3A_18, %parallel_loop3A_27 : i32
      %parallel_loop3A_29 = vector.broadcast %parallel_loop3A_28 : i1 to vector<16xi1>
      %parallel_loop3A_30 = vector.broadcast %parallel_loop3A_29 : vector<16xi1> to vector<16xi1>
      %parallel_loop3A_31 = arith.xori %parallel_loop3A_26, %parallel_loop3A_30 : vector<16xi1>
      %parallel_loop3A_32 = arith.andi %parallel_loop3A_31, %parallel_loop3A_23 : vector<16xi1>
      %parallel_loop3A_33 = vector.broadcast %parallel_loop3A_18 : i32 to vector<16xi32>
      %parallel_loop3A_34 = arith.addi %parallel_loop3A_20, %parallel_loop3A_33 : vector<16xi32>
      %parallel_loop3A_35 = arith.select %parallel_loop3A_32, %parallel_loop3A_34, %parallel_loop3A_20 : vector<16xi1>, vector<16xi32>
      %parallel_loop3A_36 = arith.constant 12700 : i32
      %parallel_loop3A_37 = vector.broadcast %parallel_loop3A_36 : i32 to vector<16xi32>
      %parallel_loop3A_38 = arith.addi %parallel_loop3A_35, %parallel_loop3A_37 : vector<16xi32>
      %parallel_loop3A_39 = tpu.vector_load_idx %arg6[%parallel_loop3A_38] : memref<25600xf32, #tpu.memory_space<vmem>>[vector<16xi32>], vector<16xf32>,
      %parallel_loop3A_40 = arith.cmpf ole, %parallel_loop3A_39, %parallel_loop3A_9 : vector<16xf32>
      %parallel_loop3A_41 = arith.constant 6400 : i32
      %parallel_loop3A_42 = arith.constant -6400 : i32
      %parallel_loop3A_43 = vector.broadcast %parallel_loop3A_41 : i32 to vector<16xi32>
      %parallel_loop3A_44 = vector.broadcast %parallel_loop3A_42 : i32 to vector<16xi32>
      %parallel_loop3A_45 = arith.select %parallel_loop3A_40, %parallel_loop3A_43, %parallel_loop3A_44 : vector<16xi1>, vector<16xi32>
      %parallel_loop3A_46 = arith.addi %parallel_loop3A_38, %parallel_loop3A_45 : vector<16xi32>
      %parallel_loop3A_47 = tpu.vector_load_idx %arg6[%parallel_loop3A_46] : memref<25600xf32, #tpu.memory_space<vmem>>[vector<16xi32>], vector<16xf32>,
      %parallel_loop3A_48 = arith.cmpf ole, %parallel_loop3A_47, %parallel_loop3A_9 : vector<16xf32>
      %parallel_loop3A_49 = arith.constant 3200 : i32
      %parallel_loop3A_50 = arith.constant -3200 : i32
      %parallel_loop3A_51 = vector.broadcast %parallel_loop3A_49 : i32 to vector<16xi32>
      %parallel_loop3A_52 = vector.broadcast %parallel_loop3A_50 : i32 to vector<16xi32>
      %parallel_loop3A_53 = arith.select %parallel_loop3A_48, %parallel_loop3A_51, %parallel_loop3A_52 : vector<16xi1>, vector<16xi32>
      %parallel_loop3A_54 = arith.addi %parallel_loop3A_46, %parallel_loop3A_53 : vector<16xi32>
      %parallel_loop3A_55 = tpu.vector_load_idx %arg6[%parallel_loop3A_54] : memref<25600xf32, #tpu.memory_space<vmem>>[vector<16xi32>], vector<16xf32>,
      %parallel_loop3A_56 = arith.cmpf ole, %parallel_loop3A_55, %parallel_loop3A_9 : vector<16xf32>
      %parallel_loop3A_57 = arith.constant 1600 : i32
      %parallel_loop3A_58 = arith.constant -1600 : i32
      %parallel_loop3A_59 = vector.broadcast %parallel_loop3A_57 : i32 to vector<16xi32>
      %parallel_loop3A_60 = vector.broadcast %parallel_loop3A_58 : i32 to vector<16xi32>
      %parallel_loop3A_61 = arith.select %parallel_loop3A_56, %parallel_loop3A_59, %parallel_loop3A_60 : vector<16xi1>, vector<16xi32>
      %parallel_loop3A_62 = arith.addi %parallel_loop3A_54, %parallel_loop3A_61 : vector<16xi32>
      %parallel_loop3A_63 = tpu.vector_load_idx %arg6[%parallel_loop3A_62] : memref<25600xf32, #tpu.memory_space<vmem>>[vector<16xi32>], vector<16xf32>,
      %parallel_loop3A_64 = arith.cmpf ole, %parallel_loop3A_63, %parallel_loop3A_9 : vector<16xf32>
      %parallel_loop3A_65 = arith.constant 800 : i32
      %parallel_loop3A_66 = arith.constant -800 : i32
      %parallel_loop3A_67 = vector.broadcast %parallel_loop3A_65 : i32 to vector<16xi32>
      %parallel_loop3A_68 = vector.broadcast %parallel_loop3A_66 : i32 to vector<16xi32>
      %parallel_loop3A_69 = arith.select %parallel_loop3A_64, %parallel_loop3A_67, %parallel_loop3A_68 : vector<16xi1>, vector<16xi32>
      %parallel_loop3A_70 = arith.addi %parallel_loop3A_62, %parallel_loop3A_69 : vector<16xi32>
      %parallel_loop3A_71 = tpu.vector_load_idx %arg6[%parallel_loop3A_70] : memref<25600xf32, #tpu.memory_space<vmem>>[vector<16xi32>], vector<16xf32>,
      %parallel_loop3A_72 = arith.cmpf ole, %parallel_loop3A_71, %parallel_loop3A_9 : vector<16xf32>
      %parallel_loop3A_73 = arith.constant 400 : i32
      %parallel_loop3A_74 = arith.constant -400 : i32
      %parallel_loop3A_75 = vector.broadcast %parallel_loop3A_73 : i32 to vector<16xi32>
      %parallel_loop3A_76 = vector.broadcast %parallel_loop3A_74 : i32 to vector<16xi32>
      %parallel_loop3A_77 = arith.select %parallel_loop3A_72, %parallel_loop3A_75, %parallel_loop3A_76 : vector<16xi1>, vector<16xi32>
      %parallel_loop3A_78 = arith.addi %parallel_loop3A_70, %parallel_loop3A_77 : vector<16xi32>
      %parallel_loop3A_79 = tpu.vector_load_idx %arg6[%parallel_loop3A_78] : memref<25600xf32, #tpu.memory_space<vmem>>[vector<16xi32>], vector<16xf32>,
      %parallel_loop3A_80 = arith.cmpf ole, %parallel_loop3A_79, %parallel_loop3A_9 : vector<16xf32>
      %parallel_loop3A_81 = arith.constant 200 : i32
      %parallel_loop3A_82 = arith.constant -200 : i32
      %parallel_loop3A_83 = vector.broadcast %parallel_loop3A_81 : i32 to vector<16xi32>
      %parallel_loop3A_84 = vector.broadcast %parallel_loop3A_82 : i32 to vector<16xi32>
      %parallel_loop3A_85 = arith.select %parallel_loop3A_80, %parallel_loop3A_83, %parallel_loop3A_84 : vector<16xi1>, vector<16xi32>
      %parallel_loop3A_86 = arith.addi %parallel_loop3A_78, %parallel_loop3A_85 : vector<16xi32>
      %parallel_loop3A_87 = tpu.vector_load_idx %arg6[%parallel_loop3A_86] : memref<25600xf32, #tpu.memory_space<vmem>>[vector<16xi32>], vector<16xf32>,
      %parallel_loop3A_88 = arith.cmpf ole, %parallel_loop3A_87, %parallel_loop3A_9 : vector<16xf32>
      %parallel_loop3A_89 = arith.constant 100 : i32
      %parallel_loop3A_90 = arith.constant -100 : i32
      %parallel_loop3A_91 = vector.broadcast %parallel_loop3A_89 : i32 to vector<16xi32>
      %parallel_loop3A_92 = vector.broadcast %parallel_loop3A_90 : i32 to vector<16xi32>
      %parallel_loop3A_93 = arith.select %parallel_loop3A_88, %parallel_loop3A_91, %parallel_loop3A_92 : vector<16xi1>, vector<16xi32>
      %parallel_loop3A_94 = arith.addi %parallel_loop3A_86, %parallel_loop3A_93 : vector<16xi32>
      %parallel_loop3A_95 = tpu.vector_load_idx %arg6[%parallel_loop3A_94] : memref<25600xf32, #tpu.memory_space<vmem>>[vector<16xi32>], vector<16xf32>,
      %parallel_loop3A_96 = arith.cmpf ole, %parallel_loop3A_95, %parallel_loop3A_9 : vector<16xf32>
      %parallel_loop3A_97 = arith.constant 0 : i32
      %parallel_loop3A_98 = arith.constant -100 : i32
      %parallel_loop3A_99 = vector.broadcast %parallel_loop3A_97 : i32 to vector<16xi32>
      %parallel_loop3A_100 = vector.broadcast %parallel_loop3A_98 : i32 to vector<16xi32>
      %parallel_loop3A_101 = arith.select %parallel_loop3A_96, %parallel_loop3A_99, %parallel_loop3A_100 : vector<16xi1>, vector<16xi32>
      %parallel_loop3A_102 = arith.addi %parallel_loop3A_94, %parallel_loop3A_101 : vector<16xi32>
      %parallel_loop3A_103 = arith.maxsi %parallel_loop3A_102, %parallel_loop3A_35 : vector<16xi32>
      %parallel_loop3A_104 = arith.constant 25400 : i32
      %parallel_loop3A_105 = vector.broadcast %parallel_loop3A_104 : i32 to vector<16xi32>
      %parallel_loop3A_106 = arith.addi %parallel_loop3A_35, %parallel_loop3A_105 : vector<16xi32>
      %parallel_loop3A_107 = arith.minsi %parallel_loop3A_103, %parallel_loop3A_106 : vector<16xi32>
      %parallel_loop3A_108 = tpu.vector_load_idx %arg6[%parallel_loop3A_107] : memref<25600xf32, #tpu.memory_space<vmem>>[vector<16xi32>], vector<16xf32>,
      %parallel_loop3A_109 = arith.constant 100 : i32
      %parallel_loop3A_110 = vector.broadcast %parallel_loop3A_109 : i32 to vector<16xi32>
      %parallel_loop3A_111 = arith.addi %parallel_loop3A_107, %parallel_loop3A_110 : vector<16xi32>
      %parallel_loop3A_112 = tpu.vector_load_idx %arg6[%parallel_loop3A_111] : memref<25600xf32, #tpu.memory_space<vmem>>[vector<16xi32>], vector<16xf32>,
      %parallel_loop3A_113 = arith.subi %parallel_loop3A_107, %parallel_loop3A_35 : vector<16xi32>
      %parallel_loop3A_114 = arith.sitofp %parallel_loop3A_113 : vector<16xi32> to vector<16xf32>
      %parallel_loop3A_115 = arith.constant 0.00999999977 : f32
      %parallel_loop3A_116 = vector.broadcast %parallel_loop3A_115 : f32 to vector<16xf32>
      %parallel_loop3A_117 = arith.mulf %parallel_loop3A_114, %parallel_loop3A_116 : vector<16xf32>
      %parallel_loop3A_118 = arith.subf %parallel_loop3A_9, %parallel_loop3A_108 : vector<16xf32>
      %parallel_loop3A_119 = arith.subf %parallel_loop3A_112, %parallel_loop3A_108 : vector<16xf32>
      %parallel_loop3A_120 = arith.constant 9.99999971E-10 : f32
      %parallel_loop3A_121 = vector.broadcast %parallel_loop3A_120 : f32 to vector<16xf32>
      %parallel_loop3A_122 = arith.addf %parallel_loop3A_119, %parallel_loop3A_121 : vector<16xf32>
      %parallel_loop3A_123 = arith.divf %parallel_loop3A_118, %parallel_loop3A_122 : vector<16xf32>
      %parallel_loop3A_124 = arith.addf %parallel_loop3A_117, %parallel_loop3A_123 : vector<16xf32>
      %parallel_loop3A_125 = arith.constant 0.00392156886 : f32
      %parallel_loop3A_126 = vector.broadcast %parallel_loop3A_125 : f32 to vector<16xf32>
      %parallel_loop3A_127 = arith.mulf %parallel_loop3A_124, %parallel_loop3A_126 : vector<16xf32>
      %parallel_loop3A_128 = arith.index_cast %parallel_loop3A_7 : i32 to index
      %parallel_loop3A_129 = tpu.vector_load %arg7[%parallel_loop3A_128] {strides = array<i32>} : memref<6400xf32, #tpu.memory_space<vmem>>, vector<16xf32>,
      tpu.vector_store %arg7[%parallel_loop3A_128], %parallel_loop3A_127 {strides = array<i32>} : memref<6400xf32, #tpu.memory_space<vmem>>, vector<16xf32>,
    } {sc.loop_unroll_factor = 4 : i64, sc.parallel_access}
    "tpu.region"() ({
      %run_scoped3A = tpu.sem_alloc : memref<!tpu.dma_semaphore, #tpu.memory_space<semaphore_mem>>
      %dma_start3A_5 = tpu.memref_slice %arg4[%mul3A_0] : memref<102400xf32, #tpu.memory_space<hbm>> -> memref<6400xf32, #tpu.memory_space<hbm>>
      %dma_start3A_6 = tpu.memref_slice %arg4[%mul3A_0] : memref<102400xf32, #tpu.memory_space<hbm>> -> memref<6400xf32, #tpu.memory_space<hbm>>
      tpu.enqueue_dma source(%arg7 : memref<6400xf32, #tpu.memory_space<vmem>>) target(%dma_start3A_6 : memref<6400xf32, #tpu.memory_space<hbm>>) target_semaphore(%run_scoped3A : memref<!tpu.dma_semaphore, #tpu.memory_space<semaphore_mem>>)
      %dma_wait3A_7 = tpu.memref_slice %arg4[%mul3A_0] : memref<102400xf32, #tpu.memory_space<hbm>> -> memref<6400xf32, #tpu.memory_space<hbm>>
      %dma_wait3A_8 = tpu.memref_slice %arg4[%mul3A_0] : memref<102400xf32, #tpu.memory_space<hbm>> -> memref<6400xf32, #tpu.memory_space<hbm>>
      tpu.wait_dma2 semaphore(%run_scoped3A : memref<!tpu.dma_semaphore, #tpu.memory_space<semaphore_mem>>) src(%arg7 : memref<6400xf32, #tpu.memory_space<vmem>>) dst(%dma_wait3A_8 : memref<6400xf32, #tpu.memory_space<hbm>>)
      tpu.yield
    }) : () -> ()
    return
  }
}

</mosaic_0001>

<sc_bundles>
// kernel: kernel.3.cloned.1.call-start
scs
__scs_entry_jumppad:
0x0: {  	(pc) =	sbr.rel $0x88, $3  }
0x1: {  	(tag) =	ssettag $0x0;
	lr =	simm.s32 $0x1  }
0x2: {  	[smem:$0x3F9F] =	sst lr;
	_ =	strace $0xD0000000  }
0x3: {  	_ = 	snop  }
0x4: {  	_ = 	snop  }
0x5: {  	_ = 	snop  }
0x6: {  	_ = 	snop  }
0x7: {  	_ = 	snop  }
__scs_overlays_trampoline_lowered:
0x8: {  	[smem:$0x3FAE] =	sst s0  }
0x9: {  	[smem:$0x3FAF] =	sst s1  }
0xa: {  	[smem:$0x3FB0] =	sst s2  }
0xb: {  	[smem:$0x3FB1] =	sst s3  }
0xc: {  	[smem:$0x3FB2] =	sst s4  }
0xd: {  	[smem:$0x3FB3] =	sst s5  }
0xe: {  	[smem:$0x3FB4] =	sst s6  }
0xf: {  	[smem:$0x3FB5] =	sst s7  }
0x10: {  	[smem:$0x3FB6] =	sst s8  }
0x11: {  	[smem:$0x3FB7] =	sst s9;
	s0 =	simm.s32 @!p0 $0x0  }
0x12: {  	s1 =	sld [smem:$0x3F9D];
	s0 =	simm.s32 @p0 $0x1  }
0x13: {  	[smem:$0x3FB8] =	sst s0;
	s0 =	simm.s32 @!p1 $0x0  }
0x14: {  	s2 =	sld [smem:$0x3F9C];
	s0 =	simm.s32 @p1 $0x1  }
0x15: {  	[smem:$0x3FB9] =	sst s0;
	s0 =	simm.s32 @!p2 $0x0  }
0x16: {  	s3 =	sld [smem:$0x3FDB];
	s0 =	simm.s32 @p2 $0x1  }
0x17: {  	s4 =	simm.s32 $0x1BF5;
	[smem:$0x3FBB] =	sst s0  }
0x18: {  	s0 =	sld [smem:$0x3F9E];
	_ =	swait.ge [sflag:s4], $0x0  }
0x19: {  	s7 =	sld [smem:$0x3F9F]  }
0x1a: {  	s8 =	sadd.s32 $0xFFFFE003, lr  }
0x1b: {  	s9 =	sadd.s32 $0xFFFFFEF7, lr;
	s5 =	simm.s32 $0xFFFFFFFF;
	p2 =	slt.u32 s8, $0xFFFFF086  }
0x1c: {  	p1 =	slt.u32 s9, $0xF7A;
	s5 =	simm.s32 @!p2 $0x0  }
0x1d: {  	s5 =	simm.s32 @p1 $0x1;
	p0 =	seq.s32 s7, s2  }
0x1e: {  	s7 =	smul.u32 @!p0 $0xF7A, s2;
	p2 =	seq.s32 @!p0 s5, $0x0  }
0x1f: {  	s9 =	smul.u32 $0xF7A, s1;
	s8 =	simm.s32 @!p0 $0x1BF5;
	p2 =	por !p2, p0  }
0x20: {  	[sflag:s8] =	ssyncset.s32 @!p0 $0xFFFFF086;
	s6 =	sadd.s32 @!p0 s3, s7;
	s7 =	simm.s32 @!p0 $0x108  }
0x21: {  	s3 =	sadd.s32 s3, s9;
	s6 =	sadd.s32 @!p0 $0x88, s6;
	s7 =	simm.s32 @p2 $0x1082  }
0x22: {  	[simem:s7], [sflag:s8] =	dma.local @!p0 [hbm:s6], $0xF7A  }
0x23: {  	s9 =	sor.u32 $0xD0000000, s2;
	s6 =	simm.s32 $0x108;
	_ =	swait.ge @!p0 [sflag:s8], $0x0  }
0x24: {  	s3 =	sadd.s32 $0x88, s3;
	s6 =	simm.s32 @!p1 $0x1082;
	[sflag:s4] =	ssyncset.s32 $0xFFFFF086  }
0x25: {  	[simem:s6], [sflag:s4] =	dma.local [hbm:s3], $0xF7A  }
0x26: {  	[smem:$0x3F9F] =	sst s1;
	(tag) =	ssettag s2;
	_ =	strace s9  }
0x27: {  	s1 =	sld [smem:$0x3FAF]  }
0x28: {  	s2 =	sld [smem:$0x3FB0]  }
0x29: {  	s4 =	sld [smem:$0x3FB2]  }
0x2a: {  	p0 =	seq.s32 s5, $0x0;
	s5 =	sld [smem:$0x3FB3]  }
0x2b: {  	s6 =	sld [smem:$0x3FB4]  }
0x2c: {  	s7 =	sld [smem:$0x3FB5]  }
0x2d: {  	s3 =	simm.s32 $0x108;
	s8 =	sld [smem:$0x3FB6]  }
0x2e: {  	s3 =	simm.s32 @!p0 $0x1082;
	s9 =	sld [smem:$0x3FB7]  }
0x2f: {  	lr =	sadd.s32 s0, s3;
	s0 =	sld [smem:$0x3FAE]  }
0x30: {  	s3 =	sld [smem:$0x3FB1]  }
0x31: {  	[smem:$0x3FBA] =	sst s10  }
0x32: {  	s10 =	sld [smem:$0x3FB8];
	_ =	sdelay $0x3  }
0x33: {  	p0 =	seq.s32 s10, $0x1;
	s10 =	sld [smem:$0x3FBA];
	_ =	sdelay $0x3  }
0x34: {  	[smem:$0x3FBA] =	sst s10  }
0x35: {  	s10 =	sld [smem:$0x3FB9];
	_ =	sdelay $0x3  }
0x36: {  	p1 =	seq.s32 s10, $0x1;
	s10 =	sld [smem:$0x3FBA];
	_ =	sdelay $0x3  }
0x37: {  	[smem:$0x3FBA] =	sst s10  }
0x38: {  	s10 =	sld [smem:$0x3FBB]  }
0x39: {  	_ = 	snop;
	(pc) =	sbr.ind lr, $3  }
0x3a: {  	_ = 	snop  }
0x3b: {  	_ = 	snop  }
0x3c: {  	p2 =	seq.s32 s10, $0x1;
	s10 =	sld [smem:$0x3FBA]  }
0x3d: {  	_ =	shalt  }
0x3e: {  	_ =	shalt  }
0x3f: {  	_ =	shalt  }
0x40: {  	_ =	shalt  }
0x41: {  	_ =	shalt  }
0x42: {  	_ =	shalt  }
0x43: {  	_ =	shalt  }
0x44: {  	_ =	shalt  }
0x45: {  	_ =	shalt  }
0x46: {  	_ =	shalt  }
0x47: {  	_ =	shalt  }
0x48: {  	_ =	shalt  }
0x49: {  	_ =	shalt  }
0x4a: {  	_ =	shalt  }
0x4b: {  	_ =	shalt  }
0x4c: {  	_ =	shalt  }
0x4d: {  	_ =	shalt  }
0x4e: {  	_ =	shalt  }
0x4f: {  	_ =	shalt  }
0x50: {  	_ =	shalt  }
0x51: {  	_ =	shalt  }
0x52: {  	_ =	shalt  }
0x53: {  	_ =	shalt  }
0x54: {  	_ =	shalt  }
0x55: {  	_ =	shalt  }
0x56: {  	_ =	shalt  }
0x57: {  	_ =	shalt  }
0x58: {  	_ =	shalt  }
0x59: {  	_ =	shalt  }
0x5a: {  	_ =	shalt  }
0x5b: {  	_ =	shalt  }
0x5c: {  	_ =	shalt  }
0x5d: {  	_ =	shalt  }
0x5e: {  	_ =	shalt  }
0x5f: {  	_ =	shalt  }
0x60: {  	_ =	shalt  }
0x61: {  	_ =	shalt  }
0x62: {  	_ =	shalt  }
0x63: {  	_ =	shalt  }
0x64: {  	_ =	shalt  }
0x65: {  	_ =	shalt  }
0x66: {  	_ =	shalt  }
0x67: {  	_ =	shalt  }
0x68: {  	_ =	shalt  }
0x69: {  	_ =	shalt  }
0x6a: {  	_ =	shalt  }
0x6b: {  	_ =	shalt  }
0x6c: {  	_ =	shalt  }
0x6d: {  	_ =	shalt  }
0x6e: {  	_ =	shalt  }
0x6f: {  	_ =	shalt  }
0x70: {  	_ =	shalt  }
0x71: {  	_ =	shalt  }
0x72: {  	_ =	shalt  }
0x73: {  	_ =	shalt  }
0x74: {  	_ =	shalt  }
0x75: {  	_ =	shalt  }
0x76: {  	_ =	shalt  }
0x77: {  	_ =	shalt  }
0x78: {  	_ =	shalt  }
0x79: {  	_ =	shalt  }
0x7a: {  	_ =	shalt  }
0x7b: {  	_ =	shalt  }
0x7c: {  	_ =	shalt  }
0x7d: {  	_ =	shalt  }
0x7e: {  	_ =	shalt  }
0x7f: {  	_ =	shalt  }
0x80: {  	_ =	shalt  }
0x81: {  	_ =	shalt  }
0x82: {  	_ =	shalt  }
0x83: {  	_ =	shalt  }
0x84: {  	_ =	shalt  }
0x85: {  	_ =	shalt  }
0x86: {  	_ =	shalt  }
0x87: {  	_ =	shalt  }
.Lfunc_end0:
.L_simem_size_0:
called_computation_lowered:
.L_overlay_start_0:
0x88: {  	s0 =	sld [smem:$0x3FD9]  }
0x89: {  	s1 =	sld [smem:$0x3FFE];
	_ =	sdelay $0x3  }
0x8a: {  	s0 =	sadd.s32 s1, s0  }
0x8b: {  	[smem:$0x3FC6] =	sst s0  }
0x8c: {  	_ = 	snop  }
0x8d: {  	s0 =	sld [smem:$0x3FD0];
	(tm) =	ssettm $0x1  }
0x8e: {  	s16 =	sld [smem:$0x3FFB];
	_ =	sdelay $0x3  }
0x8f: {  	_ =	strace s16  }
0x90: {  	s1 =	sld [smem:$0x3FFC];
	_ =	sdelay $0x3  }
0x91: {  	_ =	strace s1  }
0x92: {  	s1 =	sld [smem:$0x3FFD];
	_ =	sdelay $0x3  }
0x93: {  	_ =	strace s1  }
0x94: {  	_ =	strace $0x8FFFFFFF  }
0x95: {  	s17 =	sld [smem:$0x3FDB];
	_ =	sdelay $0x1  }
0x96: {  	s2 =	simm.s32 $_scs_section_size  }
0x97: {  	s3 =	simm.s32 $_size__tile_overlayer_lowered;
	s4 =	simm.s32 $_tile_overlayer_lowered  }
0x98: {  	s20 =	simm.s32 $0x1BFF;
	s19 =	sshll.u32 s4, $0x1;
	s1 =	sadd.s32 s2, s17  }
0x99: {  	s5 =	simm.s32 $0x0;
	s18 =	sshll.u32 s3, $0x1;
	s3 =	sadd.s32 s19, s1  }
0x9a: {  	[timem:s5], [sflag:s20] =	dma.local [hbm:s3], s18  }
0x9b: {  	_ =	swait.ge [sflag:s20], s18  }
0x9c: {  	s2 =	ssub.s32 $0x0, s18;
	[sflag:s20] =	ssyncset.done $0x0  }
0x9d: {  	[sflag:s20] =	ssyncadd.s32 s2;
	_ =	sdelay $0x1  }
0x9e: {  	s21 =	simm.s32 $0x1B8B  }
0x9f: {  	_ =	swait.ge [sflag:s21], $0x1  }
0xa0: {  	[sflag:s21] =	ssyncset.done $0x0  }
0xa1: {  	s23 =	simm.s32 $0x1B8E;
	s22 =	sld [smem:$0x3FFE];
	[sflag:s21] =	ssyncadd.s32 $0xFFFFFFFF  }
0xa2: {  	s24 =	simm.s32 $execute0_lowered;
	[smem:$0x3FD2] =	sst s23  }
0xa3: {  	s3 =	sshll.u32 s24, $0x1;
	_ =	strace $0x80000046;
	[dreg:$0x1] =	wrdreg $0xFFFFFFFF  }
0xa4: {  	s25 =	simm.s32 $_size_execute0_lowered;
	s1 =	sadd.s32 s1, s3;
	[dreg:$0x0] =	wrdreg $0x0  }
0xa5: {  	s3 =	sshll.u32 s25, $0x1;
	[dreg:$0x2] =	wrdreg s1  }
0xa6: {  	[dreg:$0x3] =	wrdreg s3  }
0xa7: {  	[dreg:$0x4] =	wrdreg $0xC0  }
0xa8: {  	_ =	task [dreg:s5], $0x5FFFF  }
0xa9: {  	[dreg:$0x1] =	wrdreg $0xFFFFFFFF  }
0xaa: {  	[dreg:$0x0] =	wrdreg $0x60  }
0xab: {  	[dreg:$0x2] =	wrdreg s0  }
0xac: {  	[dreg:$0x3] =	wrdreg s22  }
0xad: {  	[dreg:$0x4] =	wrdreg $0x9  }
0xae: {  	_ =	task.clear_ibuf [dreg:s5], $0x5FFFF;
	_ =	strace $0x90000046  }
0xaf: {  	s26 =	simm.s32 $0x9;
	_ =	strace $0x80000048  }
0xb0: {  	_ =	swait.ge [sflag:s26], $0x1  }
0xb1: {  	[sflag:s26] =	ssyncadd.s32 $0xFFFFFFFF  }
0xb2: {  	_ =	strace $0x90000048  }
0xb3: {  	_ =	sfence  }
0xb4: {  	s28 =	sld [smem:$0x0];
	_ =	sdelay $0x1  }
0xb5: {  	s29 =	srdreg.scid  }
0xb6: {  	s30 =	sshll.u32 s29, $0xD;
	s31 =	sshrl.u32 s29, $0x2  }
0xb7: {  	s2 =	sand.u32 $0x4000, s30;
	s1 =	sand.u32 $0x1, s29;
	s0 =	sadd.s32 s31, s28  }
0xb8: {  	s1 =	sor.u32 s2, s1;
	s0 =	sshll.u32 s0, $0x11  }
0xb9: {  	s0 =	sor.u32 s0, s1  }
0xba: {  	s0 =	sadd.s32 $0x8F2B, s0  }
0xbb: {  	[sflag:s0] =	ssyncadd.remote.s32 $0x1  }
0xbc: {  	_ =	sfence.sel $0xFFFF  }
0xbd: {  	[dreg:$0x0] =	wrdreg $0xFFFFFFFF;
	(pc) =	sbr.abs _section_cstart, $3  }
0xbe: {  	[dreg:$0x1] =	wrdreg $0xFFFFFFFF  }
0xbf: {  	_ =	task.clear_ibuf [dreg:s5], $0x2FFFF;
	_ =	strace $0x9FFFFFFF  }
0xc0: {  	(tm) =	ssettm $0x7FFFFFFF  }
0xc1: {  	_ =	shalt  }
tec
execute0_lowered:
.L_overlay_start_1:
0x0: {  	(tag) =	ssettag $0x1  }
0x1: {  	s0 =	stileid.u32  }
0x2: {  	s5 =	smul.u32 $0x1900, s0  }
0x3: {  	s3 =	rddreg [dreg:$0x0]  }
0x4: {  	s4 =	rddreg [dreg:$0x1];
	s6 =	simm.s32 $0x0;
	v0 =	vlaneseq.u32;
	s7 =	sadd.s32 $0x30, s5  }
0x5: {  	[smem:$0x7FF] =	sst s6;
	s2 =	sshrl.u32 s5, $0x3;
	v1 =	vor.u32 s7, v0  }
0x6: {  	s1 =	rddreg [dreg:$0x2];
	_ =	strace $0x80000047;
	s3 =	sadd.s32 s3, s2;
	v2 =	vmulhi.u32 $0x51EB851F, v1  }
0x7: {  	[tilespmem:s6], [sflag:$0x1] =	stream.linear.gather [hbm4b:s3+s6], $0x1900, $0x38;
	[tilespmem:$0x9600] =	vst v63  }
0x8: {  	s12 =	simm.s32 $0x2;
	s11 =	sadd.s32 $0x600, s4;
	s3 =	simm.s32 $0x1900;
	v2 =	vshrl.u32 v2, $0x5  }
0x9: {  	[tilespmem:s3], [sflag:$0x2] =	stream.linear.gather [hbm4b:s11+s6], $0x6400, $0x38;
	v2 =	vmul.u32 $0x64, v2;
	[tilespmem:$0x9600] =	vst v63  }
0xa: {  	_ =	swait.ge [sflag:s12], $0x6400  }
0xb: {  	[sflag:s12] =	ssyncset.done $0x0;
	v26 =	vsub.s32 v1, v2  }
0xc: {  	s13 =	simm.s32 $0x1;
	[sflag:s12] =	ssyncadd.s32 $0xFFFF9C00;
	v3 =	vadd.s32 $0x319C, v26  }
0xd: {  	_ =	swait.ge [sflag:s13], $0x1900  }
0xe: {  	[sflag:s13] =	ssyncset.done $0x0  }
0xf: {  	s14 =	simm.s32 $0x20;
	[sflag:s13] =	ssyncadd.s32 $0xFFFFE700  }
0x10: {  	v27 =	vld [tilespmem:s14+$0x10]  }
0x11: {  	v2 =	vld.idx.msk [tilespmem:v3+s3+$0x0], $0xffff  }
0x12: {  	s15 =	sadd.s32 $0x10, s5  }
0x13: {  	s16 =	sadd.s32 $0x20, s5;
	v4 =	vor.u32 s15, v0  }
0x14: {  	v5 =	vor.u32 s16, v0;
	v6 =	vmulhi.u32 $0x51EB851F, v4  }
0x15: {  	v7 =	vor.u32 s5, v0;
	v8 =	vmulhi.u32 $0x51EB851F, v5  }
0x16: {  	v9 =	vmulhi.u32 $0x51EB851F, v7;
	v1 =	vimm.s32 $0xFFFFE700;
	vm0 =	vle.f32 v2, v27  }
0x17: {  	v6 =	vshrl.u32 v6, $0x5;
	v2 =	vshrl.u32 v8, $0x5;
	v8 =	vsel vm0, $0x1900, v1  }
0x18: {  	v6 =	vmul.u32 $0x64, v6;
	v12 =	vadd.s32 v3, v8  }
0x19: {  	v9 =	vshrl.u32 v9, $0x5;
	v2 =	vmul.u32 $0x64, v2  }
0x1a: {  	v15 =	vsub.s32 v4, v6;
	v8 =	vmul.u32 $0x64, v9  }
0x1b: {  	v11 =	vsub.s32 v5, v2;
	v5 =	vadd.s32 $0x319C, v15  }
0x1c: {  	v10 =	vld [tilespmem:s14+$0xFFFFFFF0];
	v14 =	vsub.s32 v7, v8;
	v6 =	vadd.s32 $0x319C, v11  }
0x1d: {  	v7 =	vadd.s32 $0x319C, v14;
	v4 =	vld.idx.msk [tilespmem:v12+s3+$0x0], $0xffff  }
0x1e: {  	v9 =	vld [tilespmem:s14+$0xFFFFFFE0]  }
0x1f: {  	v8 =	vld [tilespmem:s14+$0x0]  }
0x20: {  	v13 =	vld.idx.msk [tilespmem:v5+s3+$0x0], $0xffff  }
0x21: {  	v16 =	vld.idx.msk [tilespmem:v6+s3+$0x0], $0xffff  }
0x22: {  	v2 =	vimm.s32 $0xFFFFF380;
	v17 =	vld.idx.msk [tilespmem:v7+s3+$0x0], $0xffff;
	vm13 =	vle.f32 v4, v27  }
0x23: {  	v4 =	vsel vm13, $0xC80, v2  }
0x24: {  	v12 =	vadd.s32 v4, v12  }
0x25: {  	v3 =	vand.u32 $0x7F, v3;
	vm14 =	vle.f32 v13, v10;
	v4 =	vand.u32 $0xFFFFFF80, v12  }
0x26: {  	v13 =	vsel vm14, $0x1900, v1;
	vm15 =	vle.f32 v16, v8;
	v3 =	vor.u32 v3, v4  }
0x27: {  	v13 =	vadd.s32 v5, v13;
	vm1 =	vle.f32 v17, v9;
	v4 =	vsel vm15, $0x1900, v1  }
0x28: {  	v16 =	vsel vm1, $0x1900, v1;
	v17 =	vadd.s32 v6, v4  }
0x29: {  	v16 =	vadd.s32 v7, v16;
	_ =	sdelay $0x1  }
0x2a: {  	v3 =	vld.idx.msk [tilespmem:v3+s3+$0x0], $0xffff  }
0x2b: {  	v18 =	vld.idx.msk [tilespmem:v13+s3+$0x0], $0xffff  }
0x2c: {  	v19 =	vld.idx.msk [tilespmem:v17+s3+$0x0], $0xffff  }
0x2d: {  	v20 =	vld.idx.msk [tilespmem:v16+s3+$0x0], $0xffff;
	_ =	sdelay $0x1  }
0x2e: {  	v4 =	vimm.s32 $0xFFFFF9C0;
	vm4 =	vle.f32 v3, v27  }
0x2f: {  	v5 =	vand.u32 $0x7F, v5;
	vm5 =	vle.f32 v18, v10;
	v3 =	vsel vm4, $0x640, v4  }
0x30: {  	v6 =	vand.u32 $0x7F, v6;
	v18 =	vsel vm5, $0xC80, v2;
	v3 =	vadd.s32 v3, v12  }
0x31: {  	vm6 =	vle.f32 v19, v8;
	vm7 =	vle.f32 v20, v9;
	v12 =	vadd.s32 v18, v13  }
0x32: {  	v18 =	vsel vm6, $0xC80, v2;
	v19 =	vsel vm7, $0xC80, v2;
	v13 =	vand.u32 $0xFFFFFF80, v12  }
0x33: {  	v16 =	vadd.s32 v19, v16;
	v5 =	vor.u32 v5, v13;
	v13 =	vadd.s32 v18, v17  }
0x34: {  	v7 =	vand.u32 $0x7F, v7;
	v18 =	vand.u32 $0xFFFFFF80, v16;
	v17 =	vand.u32 $0xFFFFFF80, v13  }
0x35: {  	v7 =	vor.u32 v7, v18;
	v6 =	vor.u32 v6, v17;
	v17 =	vld.idx.msk [tilespmem:v3+s3+$0x0], $0xffff;
	_ =	sdelay $0x3  }
0x36: {  	v18 =	vld.idx.msk [tilespmem:v5+s3+$0x0], $0xffff  }
0x37: {  	v5 =	vimm.s32 $0xFFFFFCE0;
	v7 =	vld.idx.msk [tilespmem:v7+s3+$0x0], $0xffff;
	vm8 =	vle.f32 v17, v27  }
0x38: {  	v6 =	vld.idx.msk [tilespmem:v6+s3+$0x0], $0xffff;
	v17 =	vsel vm8, $0x320, v5  }
0x39: {  	s5 =	sadd.s32 $0x40, s5;
	v3 =	vadd.s32 v17, v3  }
0x3a: {  	s17 =	sadd.s32 $0x30, s5  }
0x3b: {  	vm9 =	vle.f32 v18, v10;
	v17 =	vor.u32 s17, v0  }
0x3c: {  	v18 =	vsel vm9, $0x640, v4;
	v19 =	vmulhi.u32 $0x51EB851F, v17  }
0x3d: {  	vm11 =	vle.f32 v7, v9;
	v22 =	vadd.s32 v18, v12;
	vm10 =	vle.f32 v6, v8  }
0x3e: {  	s19 =	sadd.s32 $0x20, s5;
	v12 =	vsel vm11, $0x640, v4;
	v6 =	vshrl.u32 v19, $0x5;
	v7 =	vsel vm10, $0x640, v4;
	v18 =	vld.idx.msk [tilespmem:v3+s3+$0x0], $0xffff  }
0x3f: {  	s18 =	sadd.s32 $0x10, s5;
	v16 =	vadd.s32 v12, v16;
	v19 =	vor.u32 s19, v0;
	v6 =	vmul.u32 $0x64, v6  }
0x40: {  	v7 =	vadd.s32 v7, v13;
	v13 =	vor.u32 s18, v0;
	v21 =	vmulhi.u32 $0x51EB851F, v19  }
0x41: {  	v20 =	vmulhi.u32 $0x51EB851F, v13;
	v12 =	vsub.s32 v17, v6  }
0x42: {  	v17 =	vor.u32 s5, v0;
	v6 =	vimm.s32 $0xFFFFFE70;
	v23 =	vadd.s32 $0x319C, v12  }
0x43: {  	v24 =	vmulhi.u32 $0x51EB851F, v17;
	v20 =	vshrl.u32 v20, $0x5;
	v25 =	vld.idx.msk [tilespmem:v22+s3+$0x0], $0xffff;
	vm12 =	vle.f32 v18, v27  }
0x44: {  	v21 =	vshrl.u32 v21, $0x5;
	v20 =	vmul.u32 $0x64, v20;
	v30 =	vld.idx.msk [tilespmem:v16+s3+$0x0], $0xffff;
	v29 =	vsel vm12, $0x190, v6  }
0x45: {  	s20 =	simm.s32 $0x60;
	v28 =	vld.idx.msk [tilespmem:v7+s3+$0x0], $0xffff;
	v18 =	vshrl.u32 v24, $0x5;
	v24 =	vmul.u32 $0x64, v21;
	v3 =	vadd.s32 v29, v3  }
0x46: {  	v21 =	vsub.s32 v13, v20;
	v13 =	vld [tilespmem:s20+$0x10]  }
0x47: {  	v18 =	vmul.u32 $0x64, v18;
	v45 =	vsub.s32 v19, v24;
	v24 =	vadd.s32 $0x319C, v21;
	v29 =	vld.idx.msk [tilespmem:v23+s3+$0x0], $0xffff;
	_ =	sdelay $0x1  }
0x48: {  	vm13 =	vle.f32 v25, v10;
	v19 =	vld [tilespmem:s20+$0xFFFFFFE0];
	v20 =	vsub.s32 v17, v18;
	v31 =	vadd.s32 $0x319C, v45  }
0x49: {  	v1 =	vimm.s32 $0xFFFFE700;
	v17 =	vsel vm13, $0x320, v5;
	v32 =	vadd.s32 $0x319C, v20;
	v25 =	vld.idx.msk [tilespmem:v3+s3+$0x0], $0xffff  }
0x4a: {  	v18 =	vld [tilespmem:s20+$0xFFFFFFF0];
	vm15 =	vle.f32 v30, v9;
	vm14 =	vle.f32 v28, v8;
	v22 =	vadd.s32 v17, v22  }
0x4b: {  	v17 =	vsel vm15, $0x320, v5;
	v28 =	vsel vm14, $0x320, v5;
	v30 =	vld.idx.msk [tilespmem:v24+s3+$0x0], $0xffff;
	vm4 =	vle.f32 v29, v13  }
0x4c: {  	v28 =	vadd.s32 v28, v7;
	v29 =	vadd.s32 v17, v16;
	v17 =	vld [tilespmem:s20+$0x0];
	v7 =	vsel vm4, $0x1900, v1  }
0x4d: {  	v33 =	vld.idx.msk [tilespmem:v31+s3+$0x0], $0xffff;
	v35 =	vadd.s32 v23, v7  }
0x4e: {  	v34 =	vld.idx.msk [tilespmem:v32+s3+$0x0], $0xffff;
	v7 =	vimm.s32 $0xFFFFFF38;
	vm5 =	vle.f32 v25, v27  }
0x4f: {  	v36 =	vsel vm5, $0xC8, v7  }
0x50: {  	v25 =	vld.idx.msk [tilespmem:v22+s3+$0x0], $0xffff;
	v36 =	vadd.s32 v36, v3  }
0x51: {  	v37 =	vld.idx.msk [tilespmem:v28+s3+$0x0], $0xffff;
	vm6 =	vle.f32 v30, v18  }
0x52: {  	v39 =	vsel vm6, $0x1900, v1;
	vm7 =	vle.f32 v33, v17;
	v30 =	vld.idx.msk [tilespmem:v35+s3+$0x0], $0xffff  }
0x53: {  	v53 =	vadd.s32 v24, v39;
	vm8 =	vle.f32 v34, v19;
	v54 =	vsel vm7, $0x1900, v1  }
0x54: {  	v55 =	vsel vm8, $0x1900, v1;
	v34 =	vadd.s32 v31, v54  }
0x55: {  	v39 =	vadd.s32 v32, v55;
	vm9 =	vle.f32 v25, v10;
	v25 =	vld.idx.msk [tilespmem:v36+s3+$0x0], $0xffff;
	_ =	sdelay $0x1  }
0x56: {  	v23 =	vand.u32 $0x7F, v23;
	v38 =	vld.idx.msk [tilespmem:v29+s3+$0x0], $0xffff;
	vm10 =	vle.f32 v37, v8;
	vm2 =	vle.f32 v30, v13  }
0x57: {  	v40 =	vsel vm9, $0x190, v6;
	v30 =	vsel vm10, $0x190, v6;
	v58 =	vld.idx.msk [tilespmem:v53+s3+$0x0], $0xffff;
	v57 =	vsel vm2, $0xC80, v2  }
0x58: {  	v22 =	vadd.s32 v40, v22;
	v28 =	vadd.s32 v30, v28;
	v59 =	vld.idx.msk [tilespmem:v34+s3+$0x0], $0xffff;
	v30 =	vadd.s32 v57, v35  }
0x59: {  	v3 =	vimm.s32 $0xFFFFFF9C;
	v60 =	vand.u32 $0xFFFFFF80, v30;
	vm12 =	vle.f32 v25, v27;
	v25 =	vld.idx.msk [tilespmem:v39+s3+$0x0], $0xffff  }
0x5a: {  	v23 =	vor.u32 v23, v60;
	v61 =	vsel vm12, $0x64, v3  }
0x5b: {  	vm11 =	vle.f32 v38, v9;
	v36 =	vadd.s32 v61, v36  }
0x5c: {  	v56 =	vsel vm11, $0x190, v6;
	vm13 =	vle.f32 v58, v18  }
0x5d: {  	v29 =	vadd.s32 v56, v29;
	v62 =	vld.idx.msk [tilespmem:v22+s3+$0x0], $0xffff;
	v40 =	vsel vm13, $0xC80, v2;
	vm14 =	vle.f32 v59, v17  }
0x5e: {  	v63 =	vld.idx.msk [tilespmem:v28+s3+$0x0], $0xffff;
	v33 =	vadd.s32 v40, v53;
	vm15 =	vle.f32 v25, v19;
	v25 =	vsel vm14, $0xC80, v2  }
0x5f: {  	v24 =	vand.u32 $0x7F, v24;
	v44 =	vand.u32 $0xFFFFFF80, v33;
	v23 =	vld.idx.msk [tilespmem:v23+s3+$0x0], $0xffff;
	v25 =	vadd.s32 v25, v34  }
0x60: {  	v31 =	vand.u32 $0x7F, v31;
	v24 =	vor.u32 v24, v44;
	v47 =	vld.idx.msk [tilespmem:v36+s3+$0x0], $0xffff;
	v49 =	vand.u32 $0xFFFFFF80, v25  }
0x61: {  	v46 =	vsel vm15, $0xC80, v2;
	v31 =	vor.u32 v31, v49  }
0x62: {  	v41 =	vld.idx.msk [tilespmem:v29+s3+$0x0], $0xffff;
	v48 =	vadd.s32 v46, v39  }
0x63: {  	v32 =	vand.u32 $0x7F, v32;
	vm4 =	vle.f32 v62, v10;
	v40 =	vand.u32 $0xFFFFFF80, v48  }
0x64: {  	vm5 =	vle.f32 v63, v8;
	v32 =	vor.u32 v32, v40;
	vm7 =	vle.f32 v23, v13  }
0x65: {  	v37 =	vsel vm4, $0xC8, v7;
	v24 =	vld.idx.msk [tilespmem:v24+s3+$0x0], $0xffff;
	v23 =	vsel vm7, $0x640, v4;
	vm8 =	vle.f32 v47, v27  }
0x66: {  	v22 =	vadd.s32 v37, v22;
	v30 =	vadd.s32 v23, v30;
	v23 =	vsel vm8, $0x0, v3;
	v31 =	vld.idx.msk [tilespmem:v31+s3+$0x0], $0xffff  }
0x67: {  	vm6 =	vle.f32 v41, v9;
	v50 =	vsel vm5, $0xC8, v7;
	v23 =	vadd.s32 v23, v36  }
0x68: {  	v51 =	vsel vm6, $0xC8, v7;
	v28 =	vadd.s32 v50, v28;
	vm9 =	vgt.s32 v23, v26  }
0x69: {  	v52 =	vadd.s32 $0x6338, v26;
	v29 =	vadd.s32 v51, v29;
	v32 =	vld.idx.msk [tilespmem:v32+s3+$0x0], $0xffff;
	v23 =	vsel vm9, v23, v26  }
0x6a: {  	vm10 =	vle.f32 v24, v18;
	v34 =	vmin.u32 v23, v52  }
0x6b: {  	v53 =	vld.idx.msk [tilespmem:v22+s3+$0x0], $0xffff;
	v23 =	vsel vm10, $0x640, v4;
	v42 =	vadd.s32 $0x64, v34;
	vm11 =	vle.f32 v31, v17  }
0x6c: {  	v54 =	vld.idx.msk [tilespmem:v30+s3+$0x0], $0xffff;
	v44 =	vadd.s32 v23, v33;
	v23 =	vsel vm11, $0x640, v4  }
0x6d: {  	v16 =	vadd.s32 $0x6338, v20;
	v43 =	vld.idx.msk [tilespmem:v28+s3+$0x0], $0xffff  }
0x6e: {  	v31 =	vld.idx.msk [tilespmem:v29+s3+$0x0], $0xffff;
	[tilespmem:$0x1FFD0] =	vst v16;
	vm12 =	vle.f32 v32, v19  }
0x6f: {  	s5 =	sadd.s32 $0x40, s5;
	v38 =	vadd.s32 $0x6338, v45;
	v32 =	vadd.s32 v23, v25;
	v25 =	vsel vm12, $0x640, v4;
	v23 =	vmovc v45;
	v45 =	vld.idx.msk [tilespmem:v34+s3+$0x0], $0xffff  }
0x70: {  	s22 =	sadd.s32 $0x10, s5;
	v35 =	vadd.s32 v25, v48;
	v25 =	vld.idx.msk [tilespmem:v42+s3+$0x0], $0xffff  }
0x71: {  	s23 =	sadd.s32 $0x20, s5;
	v60 =	vor.u32 s22, v0;
	vm14 =	vle.f32 v54, v13  }
0x72: {  	s21 =	sadd.s32 $0x30, s5;
	v61 =	vor.u32 s23, v0;
	vm13 =	vle.f32 v53, v10;
	v56 =	vsel vm14, $0x320, v5  }
0x73: {  	vm4 =	vle.f32 v31, v9;
	v31 =	vld.idx.msk [tilespmem:v44+s3+$0x0], $0xffff;
	v40 =	vadd.s32 v56, v30;
	v30 =	vor.u32 s21, v0  }
0x74: {  	v55 =	vsel vm13, $0x64, v3;
	vm15 =	vle.f32 v43, v8;
	v46 =	vmulhi.u32 $0x51EB851F, v30  }
0x75: {  	v57 =	vsel vm15, $0x64, v3;
	v47 =	vadd.s32 v55, v22;
	v22 =	vsub.f32 v25, v45  }
0x76: {  	v62 =	vmulhi.u32 $0x51EB851F, v61;
	v41 =	vadd.s32 v57, v28;
	v25 =	vshrl.u32 v46, $0x5  }
0x77: {  	v58 =	vsel vm4, $0x64, v3;
	v28 =	vld.idx.msk [tilespmem:v35+s3+$0x0], $0xffff;
	v25 =	vmul.u32 $0x64, v25;
	v49 =	vadd.f32 $9.999999710e-10, v22  }
0x78: {  	v42 =	vadd.s32 v58, v29;
	v29 =	vor.u32 s5, v0;
	vm5 =	vle.f32 v31, v18  }
0x79: {  	v31 =	vmulhi.u32 $0x51EB851F, v60;
	v48 =	vld.idx.msk [tilespmem:v40+s3+$0x0], $0xffff;
	v22 =	vsub.s32 v30, v25;
	(erf) = vrcp.f32 v49  }
0x7a: {  	v1 =	vimm.s32 $0xFFFFE700;
	v25 =	vmulhi.u32 $0x51EB851F, v29;
	v49 =	vadd.s32 $0x319C, v22  }
0x7b: {  	s24 =	simm.s32 $0xA0;
	v37 =	vadd.s32 $0x6338, v15;
	v39 =	vadd.s32 $0x6338, v11;
	v36 =	vadd.s32 $0x6338, v14  }
0x7c: {  	v33 =	vld [tilespmem:s24+$0x10];
	vm7 =	vle.f32 v28, v19;
	v28 =	vshrl.u32 v31, $0x5;
	v25 =	vshrl.u32 v25, $0x5  }
0x7d: {  	v43 =	vld.idx.msk [tilespmem:v47+s3+$0x0], $0xffff;
	v30 =	vshrl.u32 v62, $0x5;
	v28 =	vmul.u32 $0x64, v28;
	v25 =	vmul.u32 $0x64, v25  }
0x7e: {  	v26 =	vsub.s32 v34, v26;
	v59 =	vld.idx.msk [tilespmem:v32+s3+$0x0], $0xffff;
	v50 =	vmul.u32 $0x64, v30;
	vm8 =	vle.f32 v48, v13  }
0x7f: {  	v30 =	vsub.s32 v60, v28;
	v60 =	vsel vm8, $0x190, v6;
	v16 =	vsub.s32 v29, v25;
	v29 =	vld.idx.msk [tilespmem:v49+s3+$0x0], $0xffff  }
0x80: {  	v24 =	vadd.s32 $0x6338, v21;
	v26 =	vcvt.s32.f32 v26;
	v40 =	vadd.s32 v60, v40  }
0x81: {  	v63 =	vld.idx.msk [tilespmem:v41+s3+$0x0], $0xffff;
	v27 =	vsub.f32 v27, v45;
	v28 =	vsub.s32 v61, v50;
	v46 =	vadd.s32 $0x319C, v30  }
0x82: {  	v26 =	vmul.f32 $9.999999770e-03, v26;
	vm9 =	vle.f32 v43, v10;
	v53 =	vld.idx.msk [tilespmem:v42+s3+$0x0], $0xffff;
	v50 =	vadd.s32 $0x319C, v28;
	v56 =	vpop (erf)  }
0x83: {  	v31 =	vsel vm5, $0x320, v5;
	v52 =	vadd.s32 $0x319C, v16;
	v27 =	vmul.f32 v56, v27  }
0x84: {  	vm6 =	vle.f32 v59, v17;
	v44 =	vadd.s32 v31, v44;
	v31 =	vld [tilespmem:s24+$0xFFFFFFF0];
	vm11 =	vle.f32 v29, v33  }
0x85: {  	v51 =	vsel vm6, $0x320, v5;
	v62 =	vld.idx.msk [tilespmem:v40+s3+$0x0], $0xffff;
	v59 =	vsel vm11, $0x1900, v1;
	v1 =	vadd.f32 v26, v27  }
0x86: {  	vm10 =	vle.f32 v63, v8;
	v58 =	vsel vm9, $0x0, v3;
	v51 =	vadd.s32 v51, v32;
	v63 =	vld.idx.msk [tilespmem:v46+s3+$0x0], $0xffff  }
0x87: {  	v61 =	vsel vm7, $0x320, v5;
	vm3 =	vle.f32 v53, v9;
	v60 =	vsel vm10, $0x0, v3;
	v43 =	vld.idx.msk [tilespmem:v50+s3+$0x0], $0xffff;
	[tilespmem:$0x1FFF0] =	vst v1  }
0x88: {  	v54 =	vand.u32 $0x7F, v46;
	v41 =	vadd.s32 v60, v41;
	v48 =	vadd.s32 v49, v59;
	v53 =	vld.idx.msk [tilespmem:v52+s3+$0x0], $0xffff  }
0x89: {  	v55 =	vand.u32 $0x7F, v50;
	vm14 =	vgt.s32 v41, v11;
	v26 =	vsel vm3, $0x0, v3;
	v27 =	vld [tilespmem:s24+$0x0]  }
0x8a: {  	v25 =	vimm.s32 $0xFFFFE700;
	v41 =	vsel vm14, v41, v11;
	v42 =	vadd.s32 v26, v42;
	v26 =	vld [tilespmem:s24+$0xFFFFFFE0]  }
0x8b: {  	v39 =	vmin.u32 v41, v39;
	v56 =	vadd.s32 v61, v35;
	v35 =	vadd.s32 v58, v47;
	v47 =	vld.idx.msk [tilespmem:v44+s3+$0x0], $0xffff  }
0x8c: {  	v45 =	vand.u32 $0x7F, v52;
	v11 =	vsub.s32 v39, v11;
	vm15 =	vle.f32 v62, v13;
	v58 =	vld.idx.msk [tilespmem:v51+s3+$0x0], $0xffff  }
0x8d: {  	vm4 =	vle.f32 v63, v31;
	v32 =	vsel vm15, $0xC8, v7;
	v1 =	vimm.s32 $0xFFFFE700;
	v59 =	vld.idx.msk [tilespmem:v48+s3+$0x0], $0xffff  }
0x8e: {  	vm12 =	vgt.s32 v35, v15;
	v34 =	vsel vm4, $0x1900, v1;
	v40 =	vadd.s32 v32, v40  }
0x8f: {  	v11 =	vcvt.s32.f32 v11;
	v57 =	vsel vm12, v35, v15;
	v46 =	vadd.s32 v46, v34  }
0x90: {  	v37 =	vmin.u32 v57, v37;
	vm5 =	vle.f32 v43, v27;
	vm6 =	vle.f32 v53, v26  }
0x91: {  	v60 =	vld.idx.msk [tilespmem:v56+s3+$0x0], $0xffff;
	vm7 =	vle.f32 v47, v18;
	vm9 =	vle.f32 v58, v17;
	v43 =	vsel vm5, $0x1900, v1  }
0x92: {  	v53 =	vsel vm6, $0x1900, v1;
	v43 =	vadd.s32 v50, v43;
	vm8 =	vle.f32 v59, v33  }
0x93: {  	v47 =	vld.idx.msk [tilespmem:v40+s3+$0x0], $0xffff;
	v61 =	vsel vm7, $0x190, v6;
	v50 =	vadd.s32 v52, v53;
	v62 =	vsel vm8, $0xC80, v2  }
0x94: {  	v63 =	vld.idx.msk [tilespmem:v46+s3+$0x0], $0xffff;
	v57 =	vsel vm9, $0x190, v6;
	v41 =	vadd.s32 v61, v44;
	v48 =	vadd.s32 v62, v48  }
0x95: {  	v49 =	vand.u32 $0x7F, v49;
	v44 =	vadd.s32 v57, v51;
	v58 =	vand.u32 $0xFFFFFF80, v48  }
0x96: {  	vm10 =	vle.f32 v60, v19;
	v60 =	vadd.s32 $0x64, v37;
	v49 =	vor.u32 v49, v58;
	v58 =	vld.idx.msk [tilespmem:v37+s3+$0x0], $0xffff  }
0x97: {  	v35 =	vadd.s32 $0x6338, v30;
	vm13 =	vgt.s32 v42, v14;
	v15 =	vsub.s32 v37, v15;
	v52 =	vld.idx.msk [tilespmem:v43+s3+$0x0], $0xffff  }
0x98: {  	v42 =	vsel vm13, v42, v14;
	vm11 =	vle.f32 v47, v13;
	v47 =	vadd.s32 $0x64, v39;
	v61 =	vld.idx.msk [tilespmem:v50+s3+$0x0], $0xffff  }
0x99: {  	v36 =	vmin.u32 v42, v36;
	v59 =	vsel vm10, $0x190, v6;
	vm12 =	vle.f32 v63, v31;
	v37 =	vld.idx.msk [tilespmem:v41+s3+$0x0], $0xffff  }
0x9a: {  	v42 =	vadd.s32 v59, v56;
	v62 =	vsel vm11, $0x64, v3;
	v53 =	vld.idx.msk [tilespmem:v44+s3+$0x0], $0xffff;
	v63 =	vsel vm12, $0xC80, v2  }
0x9b: {  	v15 =	vcvt.s32.f32 v15;
	v51 =	vld.idx.msk [tilespmem:v60+s3+$0x0], $0xffff;
	v40 =	vadd.s32 v62, v40;
	v46 =	vadd.s32 v63, v46  }
0x9c: {  	v32 =	vadd.s32 $0x6338, v16;
	v14 =	vsub.s32 v36, v14;
	v39 =	vld.idx.msk [tilespmem:v39+s3+$0x0], $0xffff;
	v59 =	vand.u32 $0xFFFFFF80, v46  }
0x9d: {  	v15 =	vmul.f32 $9.999999770e-03, v15;
	v57 =	vadd.s32 $0x64, v36;
	v54 =	vor.u32 v54, v59;
	v47 =	vld.idx.msk [tilespmem:v47+s3+$0x0], $0xffff  }
0x9e: {  	v49 =	vld.idx.msk [tilespmem:v49+s3+$0x0], $0xffff;
	v10 =	vsub.f32 v10, v58;
	vm13 =	vle.f32 v52, v27;
	vm14 =	vle.f32 v61, v26  }
0x9f: {  	v52 =	vld.idx.msk [tilespmem:v42+s3+$0x0], $0xffff;
	vm15 =	vle.f32 v37, v18;
	vm5 =	vle.f32 v53, v17;
	v56 =	vsel vm13, $0xC80, v2  }
0xa0: {  	v59 =	vld.idx.msk [tilespmem:v40+s3+$0x0], $0xffff;
	v60 =	vsel vm14, $0xC80, v2;
	v61 =	vsel vm15, $0xC8, v7;
	v43 =	vadd.s32 v56, v43  }
0xa1: {  	v50 =	vadd.s32 v60, v50;
	v41 =	vadd.s32 v61, v41;
	v56 =	vand.u32 $0xFFFFFF80, v43  }
0xa2: {  	v63 =	vsel vm5, $0xC8, v7;
	v60 =	vand.u32 $0xFFFFFF80, v50;
	v55 =	vor.u32 v55, v56  }
0xa3: {  	v36 =	vld.idx.msk [tilespmem:v36+s3+$0x0], $0xffff;
	v44 =	vadd.s32 v63, v44;
	v37 =	vor.u32 v45, v60;
	vm4 =	vle.f32 v49, v33  }
0xa4: {  	v47 =	vsub.f32 v47, v39;
	v56 =	vld.idx.msk [tilespmem:v57+s3+$0x0], $0xffff;
	v60 =	vsub.f32 v51, v58;
	v62 =	vsel vm4, $0x640, v4  }
0xa5: {  	vm6 =	vle.f32 v52, v19;
	v52 =	vld.idx.msk [tilespmem:v54+s3+$0x0], $0xffff;
	vm7 =	vle.f32 v59, v13;
	v45 =	vadd.s32 v62, v48  }
0xa6: {  	v53 =	vcvt.s32.f32 v14;
	v47 =	vadd.f32 $9.999999710e-10, v47;
	v61 =	vsel vm7, $0x0, v3;
	v48 =	vld.idx.msk [tilespmem:v41+s3+$0x0], $0xffff  }
0xa7: {  	v57 =	vsel vm6, $0xC8, v7;
	v63 =	vadd.f32 $9.999999710e-10, v60;
	v62 =	vadd.s32 v61, v40;
	v49 =	vld.idx.msk [tilespmem:v55+s3+$0x0], $0xffff  }
0xa8: {  	v60 =	vadd.s32 $0x6338, v12;
	v42 =	vadd.s32 v57, v42;
	vm8 =	vgt.s32 v62, v12;
	v14 =	vld.idx.msk [tilespmem:v37+s3+$0x0], $0xffff  }
0xa9: {  	(erf) = vrcp.f32 v63;
	v37 =	vsel vm8, v62, v12;
	v62 =	vld.idx.msk [tilespmem:v44+s3+$0x0], $0xffff;
	v56 =	vsub.f32 v56, v36  }
0xaa: {  	s5 =	sadd.s32 $0x40, s5;
	(erf) = vrcp.f32 v47;
	v37 =	vmin.u32 v37, v60;
	vm9 =	vle.f32 v52, v31;
	v61 =	vld.idx.msk [tilespmem:v45+s3+$0x0], $0xffff  }
0xab: {  	v47 =	vor.u32 s5, v0;
	v52 =	vsel vm9, $0x640, v4;
	v12 =	vsub.s32 v37, v12  }
0xac: {  	v51 =	vadd.s32 $0x64, v37;
	v46 =	vadd.s32 v52, v46;
	v12 =	vcvt.s32.f32 v12  }
0xad: {  	vm12 =	vle.f32 v48, v18;
	vm10 =	vle.f32 v49, v27;
	vm11 =	vle.f32 v14, v26  }
0xae: {  	vm14 =	vle.f32 v62, v17;
	v12 =	vmul.f32 $9.999999770e-03, v12;
	v14 =	vsel vm10, $0x640, v4  }
0xaf: {  	v63 =	vld.idx.msk [tilespmem:v42+s3+$0x0], $0xffff;
	v57 =	vsel vm11, $0x640, v4;
	v52 =	vadd.s32 v14, v43;
	vm13 =	vle.f32 v61, v33  }
0xb0: {  	s26 =	sadd.s32 $0x10, s5;
	s28 =	sadd.s32 $0x20, s5;
	v48 =	vadd.s32 v57, v50;
	v14 =	vsel vm12, $0x64, v3;
	v43 =	vsub.f32 v8, v39  }
0xb1: {  	v49 =	vld.idx.msk [tilespmem:v37+s3+$0x0], $0xffff;
	v8 =	vor.u32 s26, v0;
	v39 =	vor.u32 s28, v0;
	v58 =	vsel vm13, $0x320, v5  }
0xb2: {  	s25 =	sadd.s32 $0x30, s5;
	v59 =	vld.idx.msk [tilespmem:v51+s3+$0x0], $0xffff;
	v50 =	vadd.s32 v14, v41;
	v14 =	vsel vm14, $0x64, v3;
	v45 =	vadd.s32 v58, v45  }
0xb3: {  	v62 =	vmulhi.u32 $0x51EB851F, v8;
	v51 =	vadd.s32 v14, v44;
	v44 =	vor.u32 s25, v0  }
0xb4: {  	vm15 =	vle.f32 v63, v19;
	v63 =	vpop (erf);
	v14 =	vadd.f32 $9.999999710e-10, v56;
	v61 =	vmulhi.u32 $0x51EB851F, v44  }
0xb5: {  	v60 =	vsel vm15, $0x64, v3;
	v57 =	vmul.f32 v63, v10;
	v10 =	vmulhi.u32 $0x51EB851F, v47  }
0xb6: {  	v54 =	vadd.s32 v60, v42;
	(erf) = vrcp.f32 v14;
	v14 =	vshrl.u32 v61, $0x5  }
0xb7: {  	v42 =	vsub.f32 v9, v36;
	v9 =	vsub.f32 v59, v49;
	v14 =	vmul.u32 $0x64, v14;
	v36 =	vld.idx.msk [tilespmem:v45+s3+$0x0], $0xffff  }
0xb8: {  	v34 =	vadd.s32 $0x6338, v28;
	v41 =	vmul.f32 $9.999999770e-03, v11;
	v56 =	vld.idx.msk [tilespmem:v46+s3+$0x0], $0xffff;
	v60 =	vmulhi.u32 $0x51EB851F, v39  }
0xb9: {  	v10 =	vshrl.u32 v10, $0x5;
	v59 =	vld.idx.msk [tilespmem:v48+s3+$0x0], $0xffff;
	v9 =	vadd.f32 $9.999999710e-10, v9;
	v14 =	vsub.s32 v44, v14  }
0xba: {  	v13 =	vsub.f32 v13, v49;
	v10 =	vmul.u32 $0x64, v10;
	v55 =	vld.idx.msk [tilespmem:v50+s3+$0x0], $0xffff;
	v58 =	vadd.s32 $0x319C, v14  }
0xbb: {  	v61 =	vshrl.u32 v60, $0x5;
	v60 =	vld.idx.msk [tilespmem:v51+s3+$0x0], $0xffff;
	(erf) = vrcp.f32 v9;
	v9 =	vshrl.u32 v62, $0x5  }
0xbc: {  	v10 =	vsub.s32 v47, v10;
	v44 =	vld.idx.msk [tilespmem:v52+s3+$0x0], $0xffff;
	v9 =	vmul.u32 $0x64, v9;
	vm4 =	vle.f32 v36, v33  }
0xbd: {  	vm5 =	vle.f32 v56, v31;
	v62 =	vld.idx.msk [tilespmem:v54+s3+$0x0], $0xffff;
	v36 =	vmul.u32 $0x64, v61;
	v40 =	vsel vm4, $0x190, v6  }
0xbe: {  	v56 =	vadd.s32 $0x319C, v10;
	v8 =	vsub.s32 v8, v9;
	v61 =	vadd.s32 v40, v45  }
0xbf: {  	s29 =	simm.s32 $0xE0;
	v11 =	vsub.s32 v39, v36;
	v39 =	vadd.s32 $0x319C, v8;
	v40 =	vmul.f32 $9.999999770e-03, v53;
	v53 =	vld.idx.msk [tilespmem:v58+s3+$0x0], $0xffff  }
0xc0: {  	vm7 =	vle.f32 v59, v26;
	vm8 =	vle.f32 v55, v18;
	v36 =	vadd.f32 v15, v57;
	v15 =	vld [tilespmem:s29+$0x10]  }
0xc1: {  	v1 =	vld [tilespmem:s29+$0xFFFFFFE0];
	vm9 =	vle.f32 v60, v17;
	vm6 =	vle.f32 v44, v27;
	v47 =	vadd.s32 $0x319C, v11  }
0xc2: {  	v9 =	vld [tilespmem:s29+$0xFFFFFFF0];
	v45 =	vpop (erf);
	v57 =	vsel vm5, $0x320, v5;
	v59 =	vsel vm6, $0x320, v5;
	vm10 =	vle.f32 v62, v19  }
0xc3: {  	v62 =	vsel vm8, $0x0, v3;
	v44 =	vpop (erf);
	v63 =	vand.u32 $0x7F, v39;
	v46 =	vadd.s32 v57, v46;
	v49 =	vld.idx.msk [tilespmem:v61+s3+$0x0], $0xffff  }
0xc4: {  	v52 =	vadd.s32 v59, v52;
	v59 =	vsel vm7, $0x320, v5;
	v50 =	vadd.s32 v62, v50;
	v37 =	vpop (erf);
	v57 =	vld.idx.msk [tilespmem:v39+s3+$0x0], $0xffff  }
0xc5: {  	v62 =	vsel vm10, $0x0, v3;
	v37 =	vmul.f32 v37, v13;
	vm11 =	vle.f32 v53, v15;
	v13 =	vld [tilespmem:s29+$0x0]  }
0xc6: {  	v29 =	vmovc v16;
	v48 =	vadd.s32 v59, v48;
	vm4 =	vgt.s32 v50, v21;
	v16 =	vld.idx.msk [tilespmem:v47+s3+$0x0], $0xffff;
	v60 =	vsel vm11, $0x1900, v25  }
0xc7: {  	v55 =	vld.idx.msk [tilespmem:v56+s3+$0x0], $0xffff;
	v50 =	vsel vm4, v50, v21;
	v53 =	vsel vm9, $0x0, v3;
	v59 =	vadd.s32 v58, v60  }
0xc8: {  	v24 =	vmin.u32 v50, v24;
	v51 =	vadd.s32 v53, v51;
	v53 =	vadd.s32 v62, v54  }
0xc9: {  	v54 =	vld.idx.msk [tilespmem:v46+s3+$0x0], $0xffff;
	v37 =	vadd.f32 v12, v37;
	vm6 =	vgt.s32 v51, v23;
	vm12 =	vle.f32 v49, v33  }
0xca: {  	v12 =	vmovc v23;
	v51 =	vsel vm6, v51, v23;
	v23 =	vld [tilespmem:$0x1FFD0];
	vm13 =	vle.f32 v57, v9;
	v62 =	vsel vm12, $0xC8, v7  }
0xcb: {  	v49 =	vld.idx.msk [tilespmem:v52+s3+$0x0], $0xffff;
	vm14 =	vle.f32 v16, v13;
	v16 =	vsel vm13, $0x1900, v25;
	v57 =	vadd.s32 v62, v61  }
0xcc: {  	vm15 =	vle.f32 v55, v1;
	v21 =	vsub.s32 v24, v21;
	v16 =	vadd.s32 v39, v16;
	v39 =	vld.idx.msk [tilespmem:v59+s3+$0x0], $0xffff  }
0xcd: {  	v60 =	vand.u32 $0x7F, v47;
	vm5 =	vgt.s32 v53, v20;
	v61 =	vld.idx.msk [tilespmem:v48+s3+$0x0], $0xffff;
	v62 =	vsel vm14, $0x1900, v25  }
0xce: {  	vm7 =	vle.f32 v54, v31;
	v47 =	vadd.s32 v47, v62;
	v62 =	vsel vm15, $0x1900, v25  }
0xcf: {  	v53 =	vsel vm5, v53, v20;
	v54 =	vsel vm7, $0x190, v6;
	v55 =	vadd.s32 v56, v62  }
0xd0: {  	v50 =	vmin.u32 v51, v38;
	v46 =	vadd.s32 v54, v46;
	v23 =	vmin.u32 v53, v23;
	v51 =	vld.idx.msk [tilespmem:v57+s3+$0x0], $0xffff  }
0xd1: {  	v53 =	vadd.s32 $0x64, v24;
	vm8 =	vle.f32 v49, v27;
	v49 =	vld.idx.msk [tilespmem:v16+s3+$0x0], $0xffff;
	vm10 =	vle.f32 v39, v15  }
0xd2: {  	vm9 =	vle.f32 v61, v26;
	v61 =	vsel vm8, $0x190, v6;
	v39 =	vsel vm10, $0xC80, v2  }
0xd3: {  	v62 =	vsel vm9, $0x190, v6;
	v52 =	vadd.s32 v61, v52;
	v38 =	vld.idx.msk [tilespmem:v47+s3+$0x0], $0xffff;
	v59 =	vadd.s32 v39, v59  }
0xd4: {  	v58 =	vand.u32 $0x7F, v58;
	v48 =	vadd.s32 v62, v48;
	v39 =	vld.idx.msk [tilespmem:v55+s3+$0x0], $0xffff;
	v61 =	vand.u32 $0xFFFFFF80, v59  }
0xd5: {  	v43 =	vmul.f32 v45, v43;
	v21 =	vcvt.s32.f32 v21;
	v54 =	vor.u32 v58, v61;
	v61 =	vld.idx.msk [tilespmem:v24+s3+$0x0], $0xffff  }
0xd6: {  	v56 =	vand.u32 $0x7F, v56;
	v24 =	vld.idx.msk [tilespmem:v46+s3+$0x0], $0xffff;
	vm11 =	vle.f32 v51, v33;
	vm12 =	vle.f32 v49, v9  }
0xd7: {  	v53 =	vld.idx.msk [tilespmem:v53+s3+$0x0], $0xffff;
	v58 =	vadd.s32 $0x64, v50;
	v49 =	vsel vm11, $0x64, v3;
	v62 =	vsel vm12, $0xC80, v2  }
0xd8: {  	v51 =	vld.idx.msk [tilespmem:v52+s3+$0x0], $0xffff;
	vm13 =	vle.f32 v38, v13;
	v38 =	vsub.s32 v23, v20;
	v16 =	vadd.s32 v62, v16  }
0xd9: {  	v49 =	vadd.s32 v49, v57;
	v62 =	vld.idx.msk [tilespmem:v48+s3+$0x0], $0xffff;
	vm14 =	vle.f32 v39, v1;
	v39 =	vand.u32 $0xFFFFFF80, v16  }
0xda: {  	v57 =	vadd.s32 $0x64, v23;
	v38 =	vcvt.s32.f32 v38;
	v20 =	vor.u32 v63, v39  }
0xdb: {  	v63 =	vsel vm13, $0xC80, v2;
	v54 =	vld.idx.msk [tilespmem:v54+s3+$0x0], $0xffff;
	v39 =	vsub.s32 v50, v12;
	vm15 =	vle.f32 v24, v31  }
0xdc: {  	v23 =	vld.idx.msk [tilespmem:v23+s3+$0x0], $0xffff;
	v53 =	vsub.f32 v53, v61;
	v47 =	vadd.s32 v63, v47;
	v63 =	vsel vm14, $0xC80, v2  }
0xdd: {  	v58 =	vld.idx.msk [tilespmem:v58+s3+$0x0], $0xffff;
	v55 =	vadd.s32 v63, v55;
	v63 =	vand.u32 $0xFFFFFF80, v47;
	vm4 =	vle.f32 v51, v27  }
0xde: {  	v24 =	vand.u32 $0xFFFFFF80, v55;
	v60 =	vor.u32 v60, v63;
	v63 =	vld.idx.msk [tilespmem:v49+s3+$0x0], $0xffff;
	vm6 =	vle.f32 v62, v26  }
0xdf: {  	v50 =	vld.idx.msk [tilespmem:v50+s3+$0x0], $0xffff;
	v24 =	vor.u32 v56, v24;
	v56 =	vsel vm15, $0xC8, v7;
	v62 =	vsel vm6, $0xC8, v7  }
0xe0: {  	v57 =	vld.idx.msk [tilespmem:v57+s3+$0x0], $0xffff;
	v46 =	vadd.s32 v56, v46;
	v56 =	vsel vm4, $0xC8, v7;
	vm5 =	vle.f32 v54, v15  }
0xe1: {  	v20 =	vld.idx.msk [tilespmem:v20+s3+$0x0], $0xffff;
	v48 =	vadd.s32 v62, v48;
	v51 =	vadd.s32 v56, v52;
	v52 =	vsel vm5, $0x640, v4  }
0xe2: {  	v21 =	vmul.f32 $9.999999770e-03, v21;
	v45 =	vadd.f32 $9.999999710e-10, v53;
	v52 =	vadd.s32 v52, v59  }
0xe3: {  	v18 =	vsub.f32 v18, v61;
	v38 =	vmul.f32 $9.999999770e-03, v38;
	v54 =	vld.idx.msk [tilespmem:v60+s3+$0x0], $0xffff;
	vm7 =	vle.f32 v63, v33  }
0xe4: {  	(erf) = vrcp.f32 v45;
	v61 =	vsub.f32 v58, v50;
	v24 =	vld.idx.msk [tilespmem:v24+s3+$0x0], $0xffff;
	v63 =	vsel vm7, $0x0, v3  }
0xe5: {  	v56 =	vmul.f32 v44, v42;
	v57 =	vsub.f32 v57, v23;
	v42 =	vld.idx.msk [tilespmem:v46+s3+$0x0], $0xffff;
	v60 =	vadd.s32 v63, v49  }
0xe6: {  	v63 =	vadd.s32 $0x6338, v22;
	vm9 =	vle.f32 v20, v9;
	v20 =	vld.idx.msk [tilespmem:v48+s3+$0x0], $0xffff;
	vm8 =	vgt.s32 v60, v22  }
0xe7: {  	v49 =	vadd.f32 $9.999999710e-10, v61;
	v61 =	vsel vm9, $0x640, v4;
	v44 =	vsel vm8, v60, v22;
	v60 =	vld.idx.msk [tilespmem:v52+s3+$0x0], $0xffff  }
0xe8: {  	v62 =	vld.idx.msk [tilespmem:v51+s3+$0x0], $0xffff;
	v59 =	vmin.u32 v44, v63;
	vm10 =	vle.f32 v54, v13;
	v54 =	vadd.s32 v61, v16  }
0xe9: {  	v45 =	vadd.s32 $0x64, v59;
	vm11 =	vle.f32 v24, v1;
	v16 =	vsel vm10, $0x640, v4  }
0xea: {  	s10 =	sadd.s32 $0x40, s5;
	(erf) = vrcp.f32 v49;
	v24 =	vsel vm11, $0x640, v4;
	v47 =	vadd.s32 v16, v47  }
0xeb: {  	s5 =	sadd.s32 $0x30, s10;
	vm12 =	vle.f32 v42, v31;
	vm15 =	vle.f32 v20, v26;
	v42 =	vsub.f32 v17, v50  }
0xec: {  	v17 =	vor.u32 s5, v0;
	v55 =	vadd.s32 v24, v55;
	vm13 =	vle.f32 v60, v15  }
0xed: {  	v16 =	vsel vm12, $0x64, v3;
	vm14 =	vle.f32 v62, v27;
	v53 =	vld.idx.msk [tilespmem:v59+s3+$0x0], $0xffff;
	v20 =	vsel vm13, $0x320, v5  }
0xee: {  	v46 =	vadd.s32 v16, v46;
	v24 =	vld.idx.msk [tilespmem:v45+s3+$0x0], $0xffff;
	v52 =	vadd.s32 v20, v52;
	v20 =	vsel vm15, $0x64, v3  }
0xef: {  	v16 =	vsel vm14, $0x64, v3;
	v45 =	vsub.f32 v19, v23;
	v19 =	vmulhi.u32 $0x51EB851F, v17  }
0xf0: {  	s31 =	sadd.s32 $0x20, s10;
	v44 =	vadd.f32 v41, v43;
	v51 =	vadd.s32 v16, v51;
	v16 =	vadd.f32 $9.999999710e-10, v57  }
0xf1: {  	v41 =	vor.u32 s31, v0;
	v58 =	vld.idx.msk [tilespmem:v54+s3+$0x0], $0xffff;
	v57 =	vadd.s32 v20, v48;
	v19 =	vshrl.u32 v19, $0x5;
	v20 =	vpop (erf)  }
0xf2: {  	s30 =	sadd.s32 $0x10, s10;
	(erf) = vrcp.f32 v16;
	v19 =	vmul.u32 $0x64, v19;
	v16 =	vmul.f32 v20, v18  }
0xf3: {  	v48 =	vor.u32 s10, v0;
	v18 =	vor.u32 s30, v0;
	v20 =	vsub.f32 v24, v53;
	v23 =	vld.idx.msk [tilespmem:v52+s3+$0x0], $0xffff  }
0xf4: {  	v24 =	vmulhi.u32 $0x51EB851F, v18;
	v0 =	vsub.s32 v17, v19;
	v43 =	vadd.f32 v21, v16  }
0xf5: {  	v19 =	vld.idx.msk [tilespmem:v47+s3+$0x0], $0xffff;
	v16 =	vmulhi.u32 $0x51EB851F, v48;
	v49 =	vadd.s32 $0x319C, v0;
	v62 =	vadd.f32 $9.999999710e-10, v20  }
0xf6: {  	v63 =	vmulhi.u32 $0x51EB851F, v41;
	vm5 =	vle.f32 v58, v9;
	[tilespmem:$0x1FFE0] =	vst v0;
	v17 =	vshrl.u32 v24, $0x5  }
0xf7: {  	v21 =	vld.idx.msk [tilespmem:v55+s3+$0x0], $0xffff;
	v17 =	vmul.u32 $0x64, v17;
	v16 =	vshrl.u32 v16, $0x5;
	(erf) = vrcp.f32 v62  }
0xf8: {  	v24 =	vshrl.u32 v63, $0x5;
	v50 =	vld.idx.msk [tilespmem:v46+s3+$0x0], $0xffff;
	v61 =	vmul.u32 $0x64, v16;
	vm4 =	vle.f32 v23, v15  }
0xf9: {  	v60 =	vld.idx.msk [tilespmem:v51+s3+$0x0], $0xffff;
	v23 =	vmul.u32 $0x64, v24;
	v0 =	vsub.s32 v18, v17;
	v24 =	vsel vm4, $0x190, v6  }
0xfa: {  	s8 =	simm.s32 $0x120;
	vm6 =	vle.f32 v19, v13;
	v16 =	vsub.s32 v48, v61;
	v48 =	vld.idx.msk [tilespmem:v49+s3+$0x0], $0xffff;
	v52 =	vadd.s32 v24, v52  }
0xfb: {  	v19 =	vsub.s32 v59, v22;
	v17 =	vsub.s32 v41, v23;
	v41 =	vadd.s32 $0x319C, v0;
	v23 =	vld [tilespmem:s8+$0x10]  }
0xfc: {  	v62 =	vsel vm6, $0x320, v5;
	v24 =	vadd.f32 v40, v56;
	v40 =	vld.idx.msk [tilespmem:v57+s3+$0x0], $0xffff;
	v58 =	vadd.s32 $0x319C, v16  }
0xfd: {  	vm7 =	vle.f32 v21, v1;
	v21 =	vsel vm5, $0x320, v5;
	v56 =	vadd.s32 $0x319C, v17  }
0xfe: {  	v33 =	vsub.f32 v33, v53;
	v59 =	vpop (erf);
	v22 =	vcvt.s32.f32 v19;
	v19 =	vld [tilespmem:s8+$0xFFFFFFF0];
	v47 =	vadd.s32 v62, v47  }
0xff: {  	vm8 =	vle.f32 v50, v31;
	vm9 =	vle.f32 v60, v27;
	v61 =	vpop (erf);
	v53 =	vsel vm7, $0x320, v5;
	v63 =	vld.idx.msk [tilespmem:v52+s3+$0x0], $0xffff  }
0x100: {  	v54 =	vadd.s32 v21, v54;
	v22 =	vmul.f32 $9.999999770e-03, v22;
	v62 =	vld.idx.msk [tilespmem:v41+s3+$0x0], $0xffff;
	vm11 =	vle.f32 v48, v23;
	v21 =	vpop (erf)  }
0x101: {  	vm10 =	vle.f32 v40, v26;
	v40 =	vld.idx.msk [tilespmem:v58+s3+$0x0], $0xffff;
	v60 =	vsel vm11, $0x1900, v25;
	v21 =	vmul.f32 v21, v33  }
0x102: {  	v50 =	vld.idx.msk [tilespmem:v56+s3+$0x0], $0xffff;
	v33 =	vadd.s32 v53, v55;
	v53 =	vsel vm8, $0x0, v3;
	v55 =	vadd.s32 v49, v60  }
0x103: {  	v46 =	vadd.s32 v53, v46;
	v53 =	vsel vm9, $0x0, v3;
	v48 =	vadd.f32 v22, v21;
	v22 =	vld [tilespmem:s8+$0x0]  }
0x104: {  	v60 =	vsel vm10, $0x0, v3;
	v49 =	vand.u32 $0x7F, v49;
	v21 =	vld [tilespmem:s8+$0xFFFFFFE0];
	v51 =	vadd.s32 v53, v51  }
0x105: {  	v53 =	vadd.s32 v60, v57;
	vm14 =	vgt.s32 v46, v30;
	vm12 =	vle.f32 v63, v15  }
0x106: {  	v57 =	vld.idx.msk [tilespmem:v54+s3+$0x0], $0xffff;
	vm13 =	vle.f32 v62, v19;
	vm15 =	vgt.s32 v51, v28;
	v60 =	vsel vm12, $0xC8, v7  }
0x107: {  	v62 =	vld.idx.msk [tilespmem:v47+s3+$0x0], $0xffff;
	v46 =	vsel vm14, v46, v30;
	v63 =	vsel vm13, $0x1900, v25;
	v52 =	vadd.s32 v60, v52  }
0x108: {  	vm6 =	vgt.s32 v53, v29;
	v60 =	vld.idx.msk [tilespmem:v33+s3+$0x0], $0xffff;
	v63 =	vadd.s32 v41, v63;
	vm4 =	vle.f32 v50, v22  }
0x109: {  	v35 =	vmin.u32 v46, v35;
	vm5 =	vle.f32 v40, v21;
	v50 =	vld.idx.msk [tilespmem:v55+s3+$0x0], $0xffff;
	v40 =	vsel vm4, $0x1900, v25  }
0x10a: {  	v51 =	vsel vm15, v51, v28;
	v46 =	vsel vm5, $0x1900, v25;
	v40 =	vadd.s32 v56, v40  }
0x10b: {  	v53 =	vsel vm6, v53, v29;
	vm7 =	vle.f32 v57, v9;
	v46 =	vadd.s32 v58, v46  }
0x10c: {  	v34 =	vmin.u32 v51, v34;
	v57 =	vsel vm7, $0x190, v6;
	vm8 =	vle.f32 v62, v13;
	v51 =	vld.idx.msk [tilespmem:v52+s3+$0x0], $0xffff  }
0x10d: {  	v54 =	vadd.s32 v57, v54;
	v62 =	vld.idx.msk [tilespmem:v63+s3+$0x0], $0xffff;
	vm9 =	vle.f32 v60, v1;
	v60 =	vsel vm8, $0x190, v6  }
0x10e: {  	v47 =	vadd.s32 v60, v47;
	vm10 =	vle.f32 v50, v23;
	v50 =	vsel vm9, $0x190, v6  }
0x10f: {  	v41 =	vand.u32 $0x7F, v41;
	v60 =	vsel vm10, $0xC80, v2;
	v33 =	vadd.s32 v50, v33;
	v57 =	vld.idx.msk [tilespmem:v40+s3+$0x0], $0xffff  }
0x110: {  	v32 =	vmin.u32 v53, v32;
	v53 =	vadd.s32 $0x64, v35;
	v50 =	vld.idx.msk [tilespmem:v46+s3+$0x0], $0xffff;
	v55 =	vadd.s32 v60, v55  }
0x111: {  	v30 =	vsub.s32 v35, v30;
	v60 =	vand.u32 $0xFFFFFF80, v55;
	vm11 =	vle.f32 v51, v15  }
0x112: {  	v12 =	vmovc v29;
	vm12 =	vle.f32 v62, v19;
	v51 =	vld.idx.msk [tilespmem:v54+s3+$0x0], $0xffff;
	v49 =	vor.u32 v49, v60;
	v60 =	vsel vm11, $0x64, v3  }
0x113: {  	v25 =	vsub.s32 v32, v12;
	v62 =	vsel vm12, $0xC80, v2;
	v52 =	vadd.s32 v60, v52;
	v60 =	vld.idx.msk [tilespmem:v47+s3+$0x0], $0xffff  }
0x114: {  	v56 =	vand.u32 $0x7F, v56;
	v58 =	vand.u32 $0x7F, v58;
	v62 =	vadd.s32 v62, v63;
	v63 =	vld.idx.msk [tilespmem:v33+s3+$0x0], $0xffff  }
0x115: {  	vm13 =	vle.f32 v57, v22;
	vm14 =	vle.f32 v50, v21;
	v50 =	vand.u32 $0xFFFFFF80, v62  }
0x116: {  	v53 =	vld.idx.msk [tilespmem:v53+s3+$0x0], $0xffff;
	v57 =	vsel vm13, $0xC80, v2;
	v41 =	vor.u32 v41, v50;
	v50 =	vsel vm14, $0xC80, v2  }
0x117: {  	v57 =	vadd.s32 v57, v40;
	v40 =	vld.idx.msk [tilespmem:v35+s3+$0x0], $0xffff;
	v50 =	vadd.s32 v50, v46;
	v46 =	vadd.s32 $0x64, v34  }
0x118: {  	vm15 =	vle.f32 v51, v9;
	v49 =	vld.idx.msk [tilespmem:v49+s3+$0x0], $0xffff;
	v51 =	vand.u32 $0xFFFFFF80, v57;
	vm4 =	vle.f32 v60, v13  }
0x119: {  	v60 =	vld.idx.msk [tilespmem:v52+s3+$0x0], $0xffff;
	v51 =	vor.u32 v56, v51;
	v56 =	vand.u32 $0xFFFFFF80, v50;
	vm5 =	vle.f32 v63, v1  }
0x11a: {  	v56 =	vor.u32 v58, v56;
	v58 =	vsel vm15, $0xC8, v7;
	v63 =	vsel vm5, $0xC8, v7  }
0x11b: {  	v54 =	vadd.s32 v58, v54;
	v58 =	vsel vm4, $0xC8, v7;
	v41 =	vld.idx.msk [tilespmem:v41+s3+$0x0], $0xffff;
	v33 =	vadd.s32 v63, v33  }
0x11c: {  	v35 =	vadd.s32 v58, v47;
	v47 =	vsub.f32 v53, v40;
	v53 =	vmul.f32 v59, v42;
	v42 =	vld.idx.msk [tilespmem:v46+s3+$0x0], $0xffff  }
0x11d: {  	v43 =	vmul.f32 $3.921568860e-03, v43;
	v31 =	vsub.f32 v31, v40;
	v58 =	vmul.f32 v61, v45;
	v63 =	vmovc v17;
	v17 =	vmovc v1;
	v1 =	vld [tilespmem:$0x1FFF0]  }
0x11e: {  	vm6 =	vle.f32 v49, v23;
	v49 =	vadd.s32 $0x64, v32;
	vm7 =	vle.f32 v60, v15;
	v40 =	vld.idx.msk [tilespmem:v51+s3+$0x0], $0xffff  }
0x11f: {  	v45 =	vadd.f32 $9.999999710e-10, v47;
	v59 =	vsel vm7, $0x0, v3;
	v38 =	vadd.f32 v38, v58;
	v46 =	vld.idx.msk [tilespmem:v56+s3+$0x0], $0xffff  }
0x120: {  	v56 =	vsel vm6, $0x640, v4;
	v60 =	vadd.s32 v59, v52;
	v59 =	vadd.s32 $0x6338, v14;
	v47 =	vld.idx.msk [tilespmem:v54+s3+$0x0], $0xffff  }
0x121: {  	v51 =	vadd.s32 v56, v55;
	vm8 =	vle.f32 v41, v19;
	v55 =	vsub.s32 v34, v28;
	v28 =	vld.idx.msk [tilespmem:v34+s3+$0x0], $0xffff  }
0x122: {  	(erf) = vrcp.f32 v45;
	vm9 =	vgt.s32 v60, v14;
	v56 =	vld.idx.msk [tilespmem:v33+s3+$0x0], $0xffff;
	v61 =	vsel vm8, $0x640, v4  }
0x123: {  	v34 =	vsel vm9, v60, v14;
	v55 =	vcvt.s32.f32 v55;
	v29 =	vmul.f32 $3.921568860e-03, v1  }
0x124: {  	s7 =	simm.s32 $0x7D20;
	v52 =	vld.idx.msk [tilespmem:v35+s3+$0x0], $0xffff;
	v45 =	vadd.s32 v61, v62;
	vm10 =	vle.f32 v40, v22;
	v40 =	vmin.u32 v34, v59  }
0x125: {  	vm11 =	vle.f32 v46, v21;
	v60 =	vsel vm10, $0x640, v4;
	[tilespmem:s7+$0x10] =	vst v29;
	v29 =	vadd.s32 $0x6338, v16  }
0x126: {  	v20 =	vmovc v16;
	v16 =	vimm.s32 $0xFFFFFF9C;
	v46 =	vadd.s32 v60, v57;
	vm12 =	vle.f32 v47, v9  }
0x127: {  	v34 =	vld.idx.msk [tilespmem:v49+s3+$0x0], $0xffff;
	v61 =	vsel vm11, $0x640, v4;
	v62 =	vsub.f32 v42, v28;
	vm14 =	vle.f32 v56, v17  }
0x128: {  	v49 =	vld.idx.msk [tilespmem:v32+s3+$0x0], $0xffff;
	v60 =	vcvt.s32.f32 v39;
	v28 =	vsub.f32 v27, v28;
	v47 =	vadd.s32 v61, v50  }
0x129: {  	v50 =	vmul.f32 $3.921568860e-03, v37;
	vm13 =	vle.f32 v52, v13;
	v52 =	vsel vm12, $0x64, v3  }
0x12a: {  	v59 =	vsel vm14, $0x64, v3;
	v61 =	vadd.s32 $0x64, v40;
	v56 =	vsel vm13, $0x64, v3  }
0x12b: {  	v57 =	vld.idx.msk [tilespmem:v51+s3+$0x0], $0xffff;
	v42 =	vadd.s32 v52, v54;
	v37 =	vadd.s32 v59, v33;
	v33 =	vadd.s32 $0x6338, v8  }
0x12c: {  	v32 =	vadd.f32 $9.999999710e-10, v62;
	v62 =	vmul.f32 $3.921568860e-03, v36;
	v59 =	vcvt.s32.f32 v30  }
0x12d: {  	v3 =	vimm.s32 $0xFFFFFCE0;
	v41 =	vadd.s32 v56, v35;
	v34 =	vsub.f32 v34, v49  }
0x12e: {  	v35 =	vmul.f32 $9.999999770e-03, v60;
	v56 =	vmul.f32 $3.921568860e-03, v44;
	v30 =	vsub.f32 v26, v49  }
0x12f: {  	s6 =	simm.s32 $0x7D60;
	v36 =	vld.idx.msk [tilespmem:v40+s3+$0x0], $0xffff;
	(erf) = vrcp.f32 v32;
	v32 =	vadd.s32 $0x6338, v11;
	[tilespmem:s7+$0xFFFFFFF0] =	vst v62;
	v62 =	vcvt.s32.f32 v25  }
0x130: {  	[tilespmem:s6+$0x10] =	vst v50;
	v50 =	vld.idx.msk [tilespmem:v45+s3+$0x0], $0xffff;
	v26 =	vpop (erf);
	v27 =	vadd.f32 $9.999999710e-10, v34;
	vm15 =	vle.f32 v57, v23;
	v34 =	vadd.s32 $0x6338, v10  }
0x131: {  	v57 =	vmul.f32 $3.921568860e-03, v48;
	v60 =	vmul.f32 v26, v31;
	v31 =	vadd.s32 $0x6338, v63;
	v52 =	vld.idx.msk [tilespmem:v46+s3+$0x0], $0xffff  }
0x132: {  	v44 =	vadd.f32 v35, v53;
	v48 =	vld.idx.msk [tilespmem:v61+s3+$0x0], $0xffff;
	v26 =	vsel vm15, $0x320, v5;
	v61 =	vmul.f32 $9.999999770e-03, v59  }
0x133: {  	s5 =	simm.s32 $0x7DA0;
	v18 =	vmovc v0;
	[tilespmem:s7+$0x0] =	vst v56;
	v53 =	vld.idx.msk [tilespmem:v47+s3+$0x0], $0xffff;
	v39 =	vmul.f32 $9.999999770e-03, v62;
	(erf) = vrcp.f32 v27;
	v27 =	vadd.s32 $0x6338, v0  }
0x134: {  	s9 =	simm.s32 $0x10;
	s4 =	sadd.s32 $0x1400, s4;
	s10 =	sadd.s32 $0x40, s10;
	v49 =	vadd.s32 v26, v51;
	v26 =	vmul.f32 $9.999999770e-03, v55;
	[tilespmem:s5+$0x10] =	vst v57;
	v51 =	vld.idx.msk [tilespmem:v42+s3+$0x0], $0xffff;
	v25 =	vadd.f32 v61, v60  }
.LBB2_1:
0x135: {  	v0 =	vlaneseq.u32;
	s12 =	sadd.s32 $0x30, s10  }
0x136: {  	s11 =	sadd.s32 $0x10, s10;
	v54 =	vmul.f32 $3.921568860e-03, v24;
	v5 =	vimm.s32 $0xFFFFFE70;
	v57 =	vor.u32 s12, v0  }
0x137: {  	s31 =	sadd.s32 $0x20, s10;
	v4 =	vimm.s32 $0xFFFFE700;
	v35 =	vmovc v39;
	v39 =	vor.u32 s11, v0;
	v1 =	vmulhi.u32 $0x51EB851F, v57  }
0x138: {  	v56 =	vld.idx.msk [tilespmem:v41+s3+$0x0], $0xffff;
	v7 =	vimm.s32 $0xFFFFF380;
	[tilespmem:s6+$0xFFFFFFF0] =	vst v43;
	v43 =	vor.u32 s31, v0;
	v62 =	vmulhi.u32 $0x51EB851F, v39  }
0x139: {  	v59 =	vld.idx.msk [tilespmem:v49+s3+$0x0], $0xffff;
	v55 =	vor.u32 s10, v0;
	v44 =	vmul.f32 $3.921568860e-03, v44;
	v60 =	vmulhi.u32 $0x51EB851F, v43  }
0x13a: {  	v58 =	vld.idx.msk [tilespmem:v37+s3+$0x0], $0xffff;
	v48 =	vsub.f32 v48, v36;
	vm1 =	vle.f32 v50, v19;
	vm2 =	vle.f32 v52, v22  }
0x13b: {  	v0 =	vshrl.u32 v1, $0x5;
	vm0 =	vle.f32 v53, v21;
	v53 =	vmulhi.u32 $0x51EB851F, v55  }
0x13c: {  	v6 =	vmovc v63;
	v50 =	vshrl.u32 v60, $0x5;
	v63 =	vsub.f32 v15, v36;
	vm9 =	vle.f32 v51, v9  }
0x13d: {  	[tilespmem:s7+$0xFFFFFFE0] =	vst v54;
	v54 =	vmul.u32 $0x64, v0;
	v60 =	vsel vm1, $0x320, v3;
	v50 =	vmul.u32 $0x64, v50  }
0x13e: {  	vm8 =	vle.f32 v59, v23;
	vm10 =	vle.f32 v56, v13;
	v48 =	vadd.f32 $9.999999710e-10, v48  }
0x13f: {  	v24 =	vmovc v17;
	v0 =	vld [tilespmem:$0x1FFE0];
	vm11 =	vle.f32 v58, v17;
	v17 =	vimm.s32 $0xFFFFFF38;
	v61 =	vshrl.u32 v53, $0x5  }
0x140: {  	[tilespmem:s6+$0x0] =	vst v44;
	v44 =	vpop (erf);
	v45 =	vadd.s32 v60, v45;
	v56 =	vsel vm10, $0x0, v16;
	(erf) = vrcp.f32 v48  }
0x141: {  	v57 =	vsub.s32 v57, v54;
	v53 =	vmul.u32 $0x64, v61;
	v48 =	vshrl.u32 v62, $0x5  }
0x142: {  	v52 =	vadd.s32 $0x319C, v57;
	v62 =	vsel vm8, $0x190, v5;
	v48 =	vmul.u32 $0x64, v48  }
0x143: {  	v50 =	vsub.s32 v43, v50;
	v41 =	vadd.s32 v56, v41;
	v61 =	vadd.s32 v62, v49  }
0x144: {  	s8 =	sadd.s32 $0x40, s8;
	v59 =	vadd.s32 $0x319C, v50;
	v54 =	vsub.s32 v39, v48;
	v48 =	vsub.s32 v40, v14;
	v14 =	vmovc v0;
	v0 =	vmovc v57  }
0x145: {  	v12 =	vmovc v38;
	v15 =	vmovc v23;
	v36 =	vld [tilespmem:s8+$0xFFFFFFF0];
	v53 =	vsub.s32 v55, v53;
	v55 =	vadd.s32 $0x319C, v54;
	[tilespmem:$0x1FFE0] =	vst v0;
	v0 =	vsel vm0, $0x320, v3  }
0x146: {  	v23 =	vld [tilespmem:s8+$0x10];
	v38 =	vpop (erf);
	v44 =	vmul.f32 v44, v28;
	vm15 =	vgt.s32 v41, v11;
	v0 =	vadd.s32 v0, v47  }
0x147: {  	v38 =	vmul.f32 v38, v30;
	v62 =	vadd.s32 $0x319C, v53;
	v39 =	vsel vm2, $0x320, v3;
	v57 =	vld.idx.msk [tilespmem:v52+s3+$0x0], $0xffff  }
0x148: {  	v41 =	vsel vm15, v41, v11;
	v43 =	vcvt.s32.f32 v48;
	v46 =	vadd.s32 v39, v46;
	v47 =	vld.idx.msk [tilespmem:v61+s3+$0x0], $0xffff  }
0x149: {  	v44 =	vadd.f32 v26, v44;
	v38 =	vadd.f32 v35, v38;
	v40 =	vand.u32 $0x7F, v59;
	v58 =	vld.idx.msk [tilespmem:v59+s3+$0x0], $0xffff;
	v60 =	vpop (erf)  }
0x14a: {  	v48 =	vand.u32 $0x7F, v62;
	v39 =	vmul.f32 $9.999999770e-03, v43;
	v51 =	vld.idx.msk [tilespmem:v55+s3+$0x0], $0xffff;
	v63 =	vmul.f32 v60, v63  }
0x14b: {  	v1 =	vadd.s32 $0x6338, v54;
	v49 =	vand.u32 $0x7F, v55;
	v60 =	vsel vm9, $0x0, v16;
	v2 =	vld.idx.msk [tilespmem:v0+s3+$0x0], $0xffff  }
0x14c: {  	vm12 =	vle.f32 v57, v23;
	v42 =	vadd.s32 v60, v42;
	v60 =	vld.idx.msk [tilespmem:v62+s3+$0x0], $0xffff;
	v39 =	vadd.f32 v39, v63  }
0x14d: {  	v43 =	vsel vm11, $0x0, v16;
	v57 =	vsel vm12, $0x1900, v4;
	vm3 =	vle.f32 v47, v15;
	v47 =	vld.idx.msk [tilespmem:v46+s3+$0x0], $0xffff  }
0x14e: {  	v63 =	vadd.s32 v43, v37;
	v57 =	vadd.s32 v52, v57;
	v56 =	vmul.f32 $3.921568860e-03, v39;
	v39 =	vld [tilespmem:s8+$0x0]  }
0x14f: {  	vm13 =	vgt.s32 v42, v8;
	v43 =	vld [tilespmem:s8+$0xFFFFFFE0];
	v52 =	vand.u32 $0x7F, v52;
	vm14 =	vgt.s32 v63, v10  }
0x150: {  	s7 =	smov.u32 s6;
	s6 =	smov.u32 s5;
	s5 =	sadd.s32 $0x40, s5;
	v42 =	vsel vm13, v42, v8;
	vm4 =	vle.f32 v51, v36;
	v51 =	vsel vm3, $0xC8, v17  }
0x151: {  	v37 =	vsel vm14, v63, v10;
	v42 =	vmin.u32 v42, v33;
	v63 =	vsel vm4, $0x1900, v4;
	[tilespmem:s5+$0x10] =	vst v56;
	v56 =	vld.idx.msk [tilespmem:v45+s3+$0x0], $0xffff  }
0x152: {  	v51 =	vadd.s32 v51, v61;
	v37 =	vmin.u32 v37, v34;
	vm9 =	vle.f32 v2, v21  }
0x153: {  	v55 =	vadd.s32 v55, v63;
	vm8 =	vle.f32 v47, v22;
	v63 =	vld.idx.msk [tilespmem:v57+s3+$0x0], $0xffff;
	vm5 =	vle.f32 v58, v39  }
0x154: {  	vm6 =	vle.f32 v60, v43;
	v60 =	vadd.s32 $0x6338, v53;
	v61 =	vsel vm5, $0x1900, v4  }
0x155: {  	v58 =	vadd.s32 $0x6338, v50;
	v4 =	vsel vm6, $0x1900, v4;
	v59 =	vadd.s32 v59, v61  }
0x156: {  	v33 =	vmovc v27;
	v27 =	vmovc v1;
	v1 =	vadd.s32 v62, v4;
	vm7 =	vle.f32 v56, v19;
	v61 =	vsel vm8, $0x190, v5  }
0x157: {  	v34 =	vmovc v29;
	v47 =	vld.idx.msk [tilespmem:v51+s3+$0x0], $0xffff;
	v4 =	vmin.u32 v41, v32;
	v62 =	vsel vm7, $0x190, v5;
	v41 =	vadd.s32 v61, v46  }
0x158: {  	v29 =	vmovc v60;
	v56 =	vld.idx.msk [tilespmem:v55+s3+$0x0], $0xffff;
	v46 =	vadd.s32 $0x64, v42;
	vm10 =	vle.f32 v63, v23;
	v63 =	vsub.s32 v42, v8  }
0x159: {  	v32 =	vmovc v31;
	v31 =	vmovc v58;
	v42 =	vld.idx.msk [tilespmem:v42+s3+$0x0], $0xffff;
	v2 =	vadd.s32 v62, v45;
	v62 =	vsel vm9, $0x190, v5;
	v45 =	vadd.s32 $0x64, v4  }
0x15a: {  	v8 =	vmovc v18;
	v18 =	vmovc v54;
	v61 =	vsel vm10, $0xC80, v7;
	v0 =	vadd.s32 v62, v0;
	v62 =	vadd.s32 $0x64, v37;
	v58 =	vld.idx.msk [tilespmem:v59+s3+$0x0], $0xffff  }
0x15b: {  	v54 =	vadd.s32 v61, v57;
	v57 =	vsub.s32 v37, v10;
	v61 =	vsub.s32 v4, v11;
	v60 =	vld.idx.msk [tilespmem:v1+s3+$0x0], $0xffff  }
0x15c: {  	v10 =	vmovc v20;
	v11 =	vand.u32 $0xFFFFFF80, v54;
	vm11 =	vle.f32 v47, v15;
	v57 =	vcvt.s32.f32 v57;
	v4 =	vld.idx.msk [tilespmem:v4+s3+$0x0], $0xffff  }
0x15d: {  	v20 =	vmovc v53;
	vm12 =	vle.f32 v56, v36;
	v47 =	vor.u32 v52, v11;
	v53 =	vsel vm11, $0x64, v16;
	v52 =	vld.idx.msk [tilespmem:v41+s3+$0x0], $0xffff  }
0x15e: {  	v56 =	vsel vm12, $0xC80, v7;
	v51 =	vadd.s32 v53, v51;
	v53 =	vcvt.s32.f32 v63;
	v5 =	vld.idx.msk [tilespmem:v2+s3+$0x0], $0xffff  }
0x15f: {  	v63 =	vmovc v50;
	v11 =	vmov v6;
	v50 =	vadd.s32 v56, v55;
	v6 =	vld.idx.msk [tilespmem:v0+s3+$0x0], $0xffff;
	vm13 =	vle.f32 v58, v39  }
0x160: {  	v46 =	vld.idx.msk [tilespmem:v46+s3+$0x0], $0xffff;
	v56 =	vand.u32 $0xFFFFFF80, v50;
	vm14 =	vle.f32 v60, v43;
	v58 =	vsel vm13, $0xC80, v7  }
0x161: {  	v45 =	vld.idx.msk [tilespmem:v45+s3+$0x0], $0xffff;
	v49 =	vor.u32 v49, v56;
	v60 =	vsel vm14, $0xC80, v7;
	v56 =	vadd.s32 v58, v59  }
0x162: {  	v55 =	vcvt.s32.f32 v61;
	v47 =	vld.idx.msk [tilespmem:v47+s3+$0x0], $0xffff;
	v1 =	vadd.s32 v60, v1;
	v59 =	vand.u32 $0xFFFFFF80, v56  }
0x163: {  	v58 =	vld.idx.msk [tilespmem:v62+s3+$0x0], $0xffff;
	vm15 =	vle.f32 v5, v19;
	v5 =	vand.u32 $0xFFFFFF80, v1;
	v40 =	vor.u32 v40, v59  }
0x164: {  	v60 =	vld.idx.msk [tilespmem:v51+s3+$0x0], $0xffff;
	vm5 =	vle.f32 v6, v21;
	v6 =	vsel vm15, $0xC8, v17;
	v5 =	vor.u32 v48, v5  }
0x165: {  	vm4 =	vle.f32 v52, v22;
	v7 =	vimm.s32 $0xFFFFF9C0;
	v2 =	vadd.s32 v6, v2;
	v59 =	vld.idx.msk [tilespmem:v37+s3+$0x0], $0xffff  }
0x166: {  	v62 =	vsub.f32 v46, v42;
	v61 =	vsel vm5, $0xC8, v17;
	v6 =	vsel vm4, $0xC8, v17;
	v37 =	vld.idx.msk [tilespmem:v49+s3+$0x0], $0xffff  }
0x167: {  	v49 =	vsub.f32 v9, v42;
	v6 =	vadd.s32 v6, v41;
	vm6 =	vle.f32 v47, v23  }
0x168: {  	v0 =	vadd.s32 v61, v0;
	v47 =	vadd.f32 $9.999999710e-10, v62;
	v30 =	vsel vm6, $0x640, v7;
	v28 =	vld.idx.msk [tilespmem:v40+s3+$0x0], $0xffff  }
0x169: {  	vm7 =	vle.f32 v60, v15;
	v60 =	vmul.f32 $9.999999770e-03, v53;
	v54 =	vadd.s32 v30, v54;
	v5 =	vld.idx.msk [tilespmem:v5+s3+$0x0], $0xffff  }
0x16a: {  	v9 =	vmovc v19;
	v19 =	vmovc v36;
	v53 =	vsub.f32 v45, v4;
	(erf) = vrcp.f32 v47;
	v52 =	vsel vm7, $0x0, v16;
	v30 =	vld.idx.msk [tilespmem:v2+s3+$0x0], $0xffff  }
0x16b: {  	v40 =	vadd.s32 v52, v51;
	v48 =	vsub.f32 v58, v59;
	vm8 =	vle.f32 v37, v19  }
0x16c: {  	v51 =	vadd.f32 $9.999999710e-10, v53;
	v42 =	vld.idx.msk [tilespmem:v6+s3+$0x0], $0xffff;
	vm9 =	vgt.s32 v40, v14;
	v37 =	vsel vm8, $0x640, v7  }
0x16d: {  	v58 =	vadd.s32 $0x6338, v14;
	v36 =	vld.idx.msk [tilespmem:v0+s3+$0x0], $0xffff;
	v40 =	vsel vm9, v40, v14;
	v45 =	vadd.s32 v37, v50  }
0x16e: {  	v40 =	vmin.u32 v40, v58;
	vm10 =	vle.f32 v28, v39;
	vm11 =	vle.f32 v5, v43  }
0x16f: {  	v28 =	vadd.s32 $0x64, v40;
	vm12 =	vle.f32 v30, v9;
	v5 =	vsel vm10, $0x640, v7  }
0x170: {  	v61 =	vld.idx.msk [tilespmem:v54+s3+$0x0], $0xffff;
	v30 =	vsub.f32 v24, v59;
	v62 =	vsel vm11, $0x640, v7;
	v46 =	vadd.s32 v5, v56  }
0x171: {  	s9 =	sadd.s32 $0x4, s9;
	vm13 =	vle.f32 v42, v22;
	v47 =	vadd.s32 v62, v1;
	v1 =	vsel vm12, $0x64, v16  }
0x172: {  	p0 =	slt.u32 s9, $0x18C;
	vm14 =	vle.f32 v36, v21;
	v50 =	vld.idx.msk [tilespmem:v45+s3+$0x0], $0xffff;
	v42 =	vadd.s32 v1, v2;
	v1 =	vsel vm13, $0x64, v16  }
.Ltmp0:
0x173: {  	v17 =	vmovc v21;
	v21 =	vmovc v43;
	v43 =	vmul.f32 $3.921568860e-03, v25;
	v2 =	vsel vm14, $0x64, v16;
	v36 =	vld.idx.msk [tilespmem:v40+s3+$0x0], $0xffff;
	v41 =	vadd.s32 v1, v6;
	(pc) =	sbr.rel @p0 .LBB2_1-.Ltmp0, $4  }
0x174: {  	v1 =	vadd.f32 $9.999999710e-10, v48;
	v37 =	vadd.s32 v2, v0;
	v0 =	vpop (erf);
	(erf) = vrcp.f32 v51;
	v48 =	vld.idx.msk [tilespmem:v28+s3+$0x0], $0xffff  }
0x175: {  	v24 =	vmovc v12;
	vm15 =	vle.f32 v61, v23;
	v2 =	vmul.f32 $9.999999770e-03, v55;
	v0 =	vmul.f32 v0, v49;
	v52 =	vld.idx.msk [tilespmem:v46+s3+$0x0], $0xffff  }
0x176: {  	v28 =	vsub.f32 v13, v4;
	v13 =	vmovc v22;
	v22 =	vmovc v39;
	(erf) = vrcp.f32 v1;
	v1 =	vsel vm15, $0x320, v3;
	v53 =	vld.idx.msk [tilespmem:v47+s3+$0x0], $0xffff  }
0x177: {  	s10 =	sadd.s32 $0x40, s10;
	v39 =	vmul.f32 $9.999999770e-03, v57;
	v26 =	vmovc v2;
	v49 =	vadd.s32 v1, v54;
	v25 =	vadd.f32 v60, v0;
	v51 =	vld.idx.msk [tilespmem:v42+s3+$0x0], $0xffff  }
0x178: {  	vm0 =	vle.f32 v50, v19;
	v3 =	vimm.s32 $0xFFFFFCE0  }
0x179: {  	v1 =	vsel vm0, $0x320, v3  }
0x17a: {  	vm1 =	vle.f32 v52, v22;
	v1 =	vadd.s32 v1, v45  }
0x17b: {  	v2 =	vsel vm1, $0x320, v3  }
0x17c: {  	v0 =	vld.idx.msk [tilespmem:v49+s3+$0x0], $0xffff;
	vm14 =	vle.f32 v53, v21;
	v2 =	vadd.s32 v2, v46  }
0x17d: {  	v4 =	vsel vm14, $0x320, v3  }
0x17e: {  	v55 =	vadd.s32 v4, v47  }
0x17f: {  	v5 =	vld.idx.msk [tilespmem:v1+s3+$0x0], $0xffff;
	_ =	sdelay $0x1  }
0x180: {  	v56 =	vimm.s32 $0xFFFFFE70;
	vm15 =	vle.f32 v0, v23;
	v6 =	vld.idx.msk [tilespmem:v2+s3+$0x0], $0xffff  }
0x181: {  	v57 =	vsel vm15, $0x190, v56  }
0x182: {  	v4 =	vadd.s32 v57, v49;
	v35 =	vld.idx.msk [tilespmem:v55+s3+$0x0], $0xffff  }
0x183: {  	vm4 =	vle.f32 v5, v19  }
0x184: {  	v5 =	vsel vm4, $0x190, v56  }
0x185: {  	vm5 =	vle.f32 v6, v22;
	v1 =	vadd.s32 v5, v1  }
0x186: {  	v59 =	vsel vm5, $0x190, v56  }
0x187: {  	v58 =	vld.idx.msk [tilespmem:v4+s3+$0x0], $0xffff;
	vm6 =	vle.f32 v35, v21;
	v2 =	vadd.s32 v59, v2  }
0x188: {  	v60 =	vsel vm6, $0x190, v56  }
0x189: {  	v0 =	vadd.s32 v60, v55  }
0x18a: {  	v12 =	vld.idx.msk [tilespmem:v1+s3+$0x0], $0xffff;
	_ =	sdelay $0x1  }
0x18b: {  	v61 =	vimm.s32 $0xFFFFFF38;
	vm7 =	vle.f32 v58, v23;
	v16 =	vld.idx.msk [tilespmem:v2+s3+$0x0], $0xffff  }
0x18c: {  	v62 =	vsel vm7, $0xC8, v61  }
0x18d: {  	v4 =	vadd.s32 v62, v4;
	v49 =	vld.idx.msk [tilespmem:v0+s3+$0x0], $0xffff  }
0x18e: {  	vm8 =	vle.f32 v12, v19  }
0x18f: {  	v5 =	vsel vm8, $0xC8, v61  }
0x190: {  	vm9 =	vle.f32 v16, v22;
	v1 =	vadd.s32 v5, v1  }
0x191: {  	v7 =	vld.idx.msk [tilespmem:v37+s3+$0x0], $0xffff;
	v52 =	vsel vm9, $0xC8, v61  }
0x192: {  	v50 =	vld.idx.msk [tilespmem:v4+s3+$0x0], $0xffff;
	vm10 =	vle.f32 v49, v21;
	v2 =	vadd.s32 v52, v2  }
0x193: {  	v53 =	vld.idx.msk [tilespmem:v41+s3+$0x0], $0xffff;
	v54 =	vsel vm10, $0xC8, v61  }
0x194: {  	v0 =	vadd.s32 v54, v0  }
0x195: {  	v56 =	vld.idx.msk [tilespmem:v1+s3+$0x0], $0xffff  }
0x196: {  	v3 =	vimm.s32 $0xFFFFFF9C;
	vm12 =	vle.f32 v51, v9  }
0x197: {  	vm14 =	vle.f32 v7, v17;
	v57 =	vsel vm12, $0x0, v3;
	vm11 =	vle.f32 v50, v23;
	v58 =	vld.idx.msk [tilespmem:v2+s3+$0x0], $0xffff  }
0x198: {  	vm13 =	vle.f32 v53, v13;
	v59 =	vadd.s32 v57, v42;
	v55 =	vsel vm11, $0x64, v3  }
0x199: {  	v60 =	vsel vm13, $0x0, v3;
	vm15 =	vgt.s32 v59, v8;
	v4 =	vadd.s32 v55, v4;
	v61 =	vld.idx.msk [tilespmem:v0+s3+$0x0], $0xffff  }
0x19a: {  	v7 =	vadd.s32 v60, v41;
	v5 =	vsel vm15, v59, v8;
	vm4 =	vle.f32 v56, v19  }
0x19b: {  	v62 =	vsel vm14, $0x0, v3;
	v5 =	vmin.u32 v5, v33;
	v47 =	vsel vm4, $0x64, v3  }
0x19c: {  	vm7 =	vgt.s32 v7, v11;
	vm5 =	vle.f32 v58, v22;
	v1 =	vadd.s32 v47, v1  }
0x19d: {  	v12 =	vadd.s32 v62, v37;
	v46 =	vadd.s32 $0x64, v5;
	v49 =	vsel vm5, $0x64, v3  }
0x19e: {  	vm6 =	vgt.s32 v12, v10;
	v16 =	vld.idx.msk [tilespmem:v4+s3+$0x0], $0xffff;
	vm2 =	vle.f32 v61, v21;
	v2 =	vadd.s32 v49, v2  }
0x19f: {  	v7 =	vsel vm7, v7, v11;
	v50 =	vsel vm6, v12, v10;
	v12 =	vld [tilespmem:$0x1FFE0];
	v51 =	vsel vm2, $0x64, v3  }
0x1a0: {  	v7 =	vmin.u32 v7, v32;
	v32 =	vld.idx.msk [tilespmem:v5+s3+$0x0], $0xffff;
	v0 =	vadd.s32 v51, v0  }
0x1a1: {  	v54 =	vsub.f32 v48, v36;
	v56 =	vld.idx.msk [tilespmem:v1+s3+$0x0], $0xffff  }
0x1a2: {  	v14 =	vsub.s32 v40, v14;
	v24 =	vmul.f32 $3.921568860e-03, v24;
	v6 =	vld.idx.msk [tilespmem:v46+s3+$0x0], $0xffff  }
0x1a3: {  	v14 =	vcvt.s32.f32 v14;
	v37 =	vadd.f32 $9.999999710e-10, v54;
	vm8 =	vle.f32 v16, v23;
	v57 =	vld.idx.msk [tilespmem:v2+s3+$0x0], $0xffff  }
0x1a4: {  	v52 =	vadd.s32 $0x64, v7;
	v33 =	vmin.u32 v50, v34;
	v53 =	vsel vm8, $0x0, v3  }
0x1a5: {  	v55 =	vadd.s32 $0x64, v33;
	(erf) = vrcp.f32 v37;
	v4 =	vadd.s32 v53, v4;
	v59 =	vld.idx.msk [tilespmem:v0+s3+$0x0], $0xffff  }
0x1a6: {  	v58 =	vadd.s32 $0x6338, v12;
	vm9 =	vgt.s32 v4, v12;
	vm10 =	vle.f32 v56, v19  }
0x1a7: {  	v6 =	vsub.f32 v6, v32;
	v4 =	vsel vm9, v4, v12;
	v62 =	vsel vm10, $0x0, v3  }
0x1a8: {  	v35 =	vld.idx.msk [tilespmem:v7+s3+$0x0], $0xffff;
	v4 =	vmin.u32 v4, v58;
	vm11 =	vle.f32 v57, v22;
	v1 =	vadd.s32 v62, v1  }
0x1a9: {  	v34 =	vld.idx.msk [tilespmem:v52+s3+$0x0], $0xffff;
	v60 =	vadd.s32 $0x64, v4;
	v16 =	vsel vm11, $0x0, v3;
	vm13 =	vgt.s32 v1, v18  }
0x1aa: {  	vm12 =	vle.f32 v59, v21;
	v2 =	vadd.s32 v16, v2;
	v1 =	vsel vm13, v1, v18  }
0x1ab: {  	v41 =	vld.idx.msk [tilespmem:v33+s3+$0x0], $0xffff;
	v3 =	vsel vm12, $0x0, v3;
	vm14 =	vgt.s32 v2, v63;
	v1 =	vmin.u32 v1, v27  }
0x1ac: {  	v61 =	vld.idx.msk [tilespmem:v55+s3+$0x0], $0xffff;
	v0 =	vadd.s32 v3, v0;
	v2 =	vsel vm14, v2, v63;
	v48 =	vadd.s32 $0x64, v1  }
0x1ad: {  	v6 =	vadd.f32 $9.999999710e-10, v6;
	vm15 =	vgt.s32 v0, v20;
	v2 =	vmin.u32 v2, v31  }
0x1ae: {  	v50 =	vsub.f32 v34, v35;
	v46 =	vld.idx.msk [tilespmem:v4+s3+$0x0], $0xffff;
	v0 =	vsel vm15, v0, v20;
	v51 =	vadd.s32 $0x64, v2  }
0x1af: {  	v14 =	vmul.f32 $9.999999770e-03, v14;
	v49 =	vpop (erf);
	(erf) = vrcp.f32 v6;
	v47 =	vld.idx.msk [tilespmem:v60+s3+$0x0], $0xffff;
	v0 =	vmin.u32 v0, v29  }
0x1b0: {  	v7 =	vsub.s32 v7, v11;
	v54 =	vadd.f32 $9.999999710e-10, v50;
	v56 =	vadd.s32 $0x64, v0;
	v58 =	vld.idx.msk [tilespmem:v1+s3+$0x0], $0xffff  }
0x1b1: {  	v7 =	vcvt.s32.f32 v7;
	v5 =	vsub.s32 v5, v8;
	v40 =	vsub.f32 v61, v41;
	v3 =	vld.idx.msk [tilespmem:v48+s3+$0x0], $0xffff  }
0x1b2: {  	v15 =	vsub.f32 v15, v36;
	v5 =	vcvt.s32.f32 v5;
	v52 =	vpop (erf);
	(erf) = vrcp.f32 v54;
	v62 =	vld.idx.msk [tilespmem:v2+s3+$0x0], $0xffff  }
0x1b3: {  	v37 =	vsub.f32 v13, v35;
	v30 =	vmul.f32 v52, v30;
	v53 =	vpop (erf);
	v57 =	vadd.f32 $9.999999710e-10, v40;
	v60 =	vld.idx.msk [tilespmem:v51+s3+$0x0], $0xffff  }
0x1b4: {  	v6 =	vmul.f32 v53, v15;
	v31 =	vsub.s32 v33, v10;
	v55 =	vsub.f32 v47, v46;
	v33 =	vld.idx.msk [tilespmem:v0+s3+$0x0], $0xffff  }
0x1b5: {  	v61 =	vmul.f32 $3.921568860e-03, v44;
	v52 =	vadd.f32 v39, v30;
	(erf) = vrcp.f32 v57;
	v16 =	vmovc v20;
	v20 =	vld.idx.msk [tilespmem:v56+s3+$0x0], $0xffff  }
0x1b6: {  	v5 =	vmul.f32 $9.999999770e-03, v5;
	v6 =	vadd.f32 v14, v6;
	v59 =	vadd.f32 $9.999999710e-10, v55  }
0x1b7: {  	v34 =	vsub.f32 v9, v32;
	v54 =	vmul.f32 $3.921568860e-03, v38;
	[tilespmem:s6+$0x0] =	vst v61;
	v61 =	vmul.f32 $3.921568860e-03, v52  }
0x1b8: {  	v6 =	vmul.f32 $3.921568860e-03, v6;
	v36 =	vpop (erf);
	(erf) = vrcp.f32 v59;
	v3 =	vsub.f32 v3, v58  }
0x1b9: {  	v4 =	vsub.s32 v4, v12;
	v9 =	vmul.f32 v36, v34;
	v14 =	vsub.f32 v60, v62  }
0x1ba: {  	v4 =	vcvt.s32.f32 v4;
	v3 =	vadd.f32 $9.999999710e-10, v3;
	v8 =	vsub.f32 v20, v33  }
0x1bb: {  	v44 =	vpop (erf);
	v27 =	vmul.f32 v49, v28;
	v49 =	vsub.f32 v17, v41;
	v14 =	vadd.f32 $9.999999710e-10, v14  }
0x1bc: {  	v13 =	vmul.f32 v44, v37;
	(erf) = vrcp.f32 v3;
	v8 =	vadd.f32 $9.999999710e-10, v8  }
0x1bd: {  	v4 =	vmul.f32 $9.999999770e-03, v4;
	v5 =	vadd.f32 v5, v9;
	(erf) = vrcp.f32 v14  }
0x1be: {  	v50 =	vadd.f32 v26, v27;
	v10 =	vcvt.s32.f32 v31;
	v45 =	vpop (erf);
	(erf) = vrcp.f32 v8  }
0x1bf: {  	v5 =	vmul.f32 $3.921568860e-03, v5;
	v46 =	vsub.f32 v23, v46;
	v47 =	vmul.f32 $9.999999770e-03, v7  }
0x1c0: {  	v53 =	vmul.f32 $3.921568860e-03, v50;
	v10 =	vmul.f32 $9.999999770e-03, v10;
	v1 =	vsub.s32 v1, v18  }
0x1c1: {  	[tilespmem:s6+$0xFFFFFFF0] =	vst v43;
	v1 =	vcvt.s32.f32 v1;
	v2 =	vsub.s32 v2, v63;
	v51 =	vmul.f32 $3.921568860e-03, v25;
	v48 =	vpop (erf)  }
0x1c2: {  	[tilespmem:s7+$0xFFFFFFE0] =	vst v24;
	v0 =	vsub.s32 v0, v16;
	v2 =	vcvt.s32.f32 v2;
	v7 =	vmul.f32 v48, v46  }
0x1c3: {  	[tilespmem:s6+$0xFFFFFFE0] =	vst v54;
	v1 =	vmul.f32 $9.999999770e-03, v1;
	v0 =	vcvt.s32.f32 v0  }
0x1c4: {  	s26 =	sadd.s32 $0x40, s5;
	[tilespmem:s5+$0xFFFFFFE0] =	vst v61;
	v57 =	vmul.f32 v45, v49;
	v55 =	vsub.f32 v19, v58;
	v4 =	vadd.f32 v4, v7  }
0x1c5: {  	[tilespmem:s26+$0x10] =	vst v6;
	v2 =	vmul.f32 $9.999999770e-03, v2;
	v58 =	vsub.f32 v22, v62;
	v11 =	vsub.f32 v21, v33;
	v56 =	vpop (erf)  }
0x1c6: {  	[tilespmem:s26+$0xFFFFFFF0] =	vst v5;
	v62 =	vadd.f32 v10, v57;
	v4 =	vmul.f32 $3.921568860e-03, v4;
	v6 =	vmul.f32 v56, v55;
	v59 =	vpop (erf)  }
0x1c7: {  	s28 =	sadd.s32 $0x40, s26;
	[tilespmem:s5+$0x0] =	vst v53;
	v0 =	vmul.f32 $9.999999770e-03, v0;
	v3 =	vadd.f32 v47, v13;
	v9 =	vmul.f32 v59, v58;
	v60 =	vpop (erf)  }
0x1c8: {  	v63 =	vmul.f32 $3.921568860e-03, v62;
	[tilespmem:s28+$0x10] =	vst v4;
	v1 =	vadd.f32 v1, v6;
	v4 =	vmul.f32 v60, v11  }
0x1c9: {  	[tilespmem:s5+$0xFFFFFFF0] =	vst v51;
	v3 =	vmul.f32 $3.921568860e-03, v3;
	v2 =	vadd.f32 v2, v9  }
0x1ca: {  	[tilespmem:s26+$0xFFFFFFE0] =	vst v63;
	v1 =	vmul.f32 $3.921568860e-03, v1;
	v0 =	vadd.f32 v0, v4  }
0x1cb: {  	[tilespmem:s26+$0x0] =	vst v3;
	v2 =	vmul.f32 $3.921568860e-03, v2  }
0x1cc: {  	[tilespmem:s28+$0xFFFFFFF0] =	vst v1;
	v0 =	vmul.f32 $3.921568860e-03, v0  }
0x1cd: {  	s2 =	sadd.s32 s4, s2;
	[tilespmem:s28+$0x0] =	vst v2  }
0x1ce: {  	s29 =	simm.s32 $0x0;
	s30 =	simm.s32 $0x7D00;
	s31 =	simm.s32 $0x2;
	[tilespmem:s28+$0xFFFFFFE0] =	vst v0  }
0x1cf: {  	[hbm4b:s2+s29] =	stream.linear.scatter [tilespmem:s30], [sflag:$0x2], $0x1900, $0x38;
	[tilespmem:$0x9600] =	vst v63  }
0x1d0: {  	_ =	swait.ge [sflag:s31], $0x1900  }
0x1d1: {  	[sflag:s31] =	ssyncset.done $0x0  }
0x1d2: {  	[sflag:s31] =	ssyncadd.s32 $0xFFFFE700  }
0x1d3: {  	_ =	sfence.sel $0x180000  }
0x1d4: {  	[bflag:$0x0] =	sbarrier.arrive $0xFFFF  }
0x1d5: {  	p0 =	sne.s32 s0, $0x0;
	_ =	strace $0x90000047  }
0x1d6: {  	s0 =	sadd.s32 @!p0 $0x100000, s1;
	[bflag:$0x2] =	sbarrier.arrive $0xFFFF  }
0x1d7: {  	[sflag:s0] =	ssyncadd.tile.s32 @!p0 $0x1;
	_ =	shalt  }
.Lfunc_end2:
_tile_overlayer_lowered:
.L_overlay_start_2:
0x1d8: {  	(tag) =	ssettag $0x2  }
0x1d9: {  	s0 =	rddreg [dreg:$0x0];
	s2 =	stileid.u32  }
0x1da: {  	s1 =	rddreg [dreg:$0x1];
	p0 =	sne.s32 s2, $0x0  }
0x1db: {  	s3 =	rddreg [dreg:$0x2];
	[bflag:$0x3] =	sbarrier.arrive $0xFFFF;
	s2 =	simm.s32 @!p0 $0x1C02  }
0x1dc: {  	[timem:s3], [sflag:s2] =	dma.local @!p0 [hbm:s0], s1  }
0x1dd: {  	s0 =	simm.s32 @!p0 $0x2  }
0x1de: {  	_ =	swait.ge @!p0 [sflag:s0], s1  }
0x1df: {  	s1 =	ssub.s32 @!p0 $0x0, s1;
	[sflag:s0] =	ssyncset.done @!p0 $0x0  }
0x1e0: {  	[sflag:s0] =	ssyncadd.s32 @!p0 s1  }
0x1e1: {  	[bflag:$0x3] =	sbarrier.arrive $0xFFFF  }
0x1e2: {  	_ =	shalt  }

</sc_bundles>
